<compile_context>
chip_gen: v7x
topology: tpu7x:2x2x1
jax: 0.10.2.dev20260603
libtpu: 0.0.44.dev20260713+nightly
codegen_flags: <defaults>
</compile_context>

<pallas_src>
import functools

import jax
import jax.numpy as jnp
from jax import lax
from jax.experimental import pallas as pl
from jax.experimental.pallas import tpu as pltpu
from jax.experimental.pallas import tpu_sc as plsc

_B, _N, _D = 64, 1024, 768
_LANES = 16
_NC, _NS = 2, 16
_NW = _NC * _NS
_ROWS_W = _N // _NW
_VPR = _D // _LANES
_BB = 2
_RB = 8
_RG = _ROWS_W // _RB
_TCH = (_B // _BB) * _RG
_NBUF = 8
_PF = 4


def _sc_body(x_hbm, pe_hbm, o_hbm, pe_v, bufs, isems, osems):
    c = lax.axis_index("c")
    s = lax.axis_index("s")
    wid = s * _NC + c
    n0 = wid * _ROWS_W
    pltpu.sync_copy(pe_hbm.at[pl.ds(n0, _ROWS_W), :], pe_v)

    def slab(t):
        bg = lax.div(t, _RG)
        rg = lax.rem(t, _RG)
        return pl.ds(bg * _BB, _BB), pl.ds(n0 + rg * _RB, _RB), rg

    def in_copy(t, j):
        bs, rs, _ = slab(t)
        return pltpu.make_async_copy(
            x_hbm.at[bs, rs, :], bufs.at[j], isems.at[j]
        )

    def out_copy(t, j):
        bs, rs, _ = slab(t)
        return pltpu.make_async_copy(
            bufs.at[j], o_hbm.at[bs, rs, :], osems.at[j]
        )

    for t0 in range(_PF):
        in_copy(t0, t0).start()

    def chunk_step(t, carry):
        j = lax.rem(t, _NBUF)
        jn = lax.rem(t + _PF, _NBUF)
        _, _, rg = slab(t)
        in_copy(t, j).wait()

        @pl.when(t >= _NBUF - _PF)
        def _():
            out_copy(t - (_NBUF - _PF), jn).wait()

        @pl.when(t + _PF < _TCH)
        def _():
            in_copy(t + _PF, jn).start()

        rg8 = rg * _RB

        def row_step(r, carry2):
            pr = rg8 + r
            for c4 in range(0, _VPR, 4):
                sls = [pl.ds((c4 + k) * _LANES, _LANES) for k in range(4)]
                vals = [pe_v[pr, sl] for sl in sls]
                for bi in range(_BB):
                    for sl, a in zip(sls, vals):
                        plsc.addupdate(bufs.at[j, bi, r, sl], a)
            return carry2

        lax.fori_loop(0, _RB, row_step, 0)
        out_copy(t, j).start()
        return carry

    lax.fori_loop(0, _TCH, chunk_step, 0)
    for tt in range(_TCH - (_NBUF - _PF), _TCH):
        out_copy(tt, tt % _NBUF).wait()


_sc_call = functools.partial(
    pl.kernel,
    out_type=jax.ShapeDtypeStruct((_B, _N, _D), jnp.float32),
    mesh=plsc.VectorSubcoreMesh(core_axis_name="c", subcore_axis_name="s"),
    scratch_types=[
        pltpu.VMEM((_ROWS_W, _D), jnp.float32),
        pltpu.VMEM((_NBUF, _BB, _RB, _D), jnp.float32),
        pltpu.SemaphoreType.DMA((_NBUF,)),
        pltpu.SemaphoreType.DMA((_NBUF,)),
    ],
    compiler_params=pltpu.CompilerParams(use_tc_tiling_on_sc=True),
)(_sc_body)


def kernel(x, pos_emb):
    return _sc_call(x, pos_emb)

# --- scband reference (transcript-rebuilt; emitter-appended) ---
"""Pipeline reference for scband-learned-positional-embedding-10522669875432 (READ-ONLY COPY).

The authoritative reference and input builder live on the scoring server;
editing this copy changes nothing except your own understanding.
"""

import jax, jax.numpy as jnp
import numpy as np

D_MODEL = 768
MAX_PATCHES = 1024
BATCH = 64
N = 1024

def setup_inputs(seed: int = 0) -> dict:
    key = jax.random.key(seed)
    k_x, k_emb = jax.random.split(key)
    x = jax.random.normal(k_x, (BATCH, N, D_MODEL), dtype=jnp.float32)
    # learned positional embedding table, as in nn.Embedding(max_patches, d_model)
    pos_emb = jax.random.normal(k_emb, (MAX_PATCHES, D_MODEL), dtype=jnp.float32)
    return {"x": x, "pos_emb": pos_emb}

def reference(x, pos_emb):
    # N = x.size(-2); idx = arange(N); pe = pos_emb(idx); return dropout(x + pe)
    # dropout p=0.0 -> identity (eval semantics)
    n = x.shape[-2]
    idx = jnp.arange(n)
    pe = jnp.take(pos_emb, idx, axis=0)  # gather rows [N, d_model]
    return x + pe

if __name__ == "__main__":
    import jax
    _d = setup_inputs()
    print(jax.jit(kernel)(*tuple(_d.values())))

</pallas_src>

<mosaic_0001>
#map = affine_map<(d0, d1) -> (0, 0, 0)>
#map1 = affine_map<(d0, d1) -> (0, 0)>
module attributes {stable_mosaic.version = 14 : i64} {
  func.func @_sc_body(%arg0: i32, %arg1: i32, %arg2: memref<64x1024x768xf32, #tpu.memory_space<hbm>>, %arg3: memref<1024x768xf32, #tpu.memory_space<hbm>>, %arg4: memref<64x1024x768xf32, #tpu.memory_space<hbm>>, %arg5: memref<32x768xf32, #tpu.memory_space<vmem>>, %arg6: memref<8x2x8x768xf32, #tpu.memory_space<vmem>>, %arg7: memref<8x!tpu.dma_semaphore, #tpu.memory_space<semaphore_mem>>, %arg8: memref<8x!tpu.dma_semaphore, #tpu.memory_space<semaphore_mem>>) attributes {dimension_semantics = [#tpu.dimension_semantics<core_parallel>, #tpu.dimension_semantics<subcore_parallel>], iteration_bounds = array<i64: 2, 16>, scalar_prefetch = 0 : i64, scratch_operands = 4 : i64, tpu.core_type = #tpu.core_type<sc_vector_subcore>, window_params = [{transform_indices = #map}, {transform_indices = #map1}, {transform_indices = #map}]} {
    %mul3A = arith.constant 2 : i32
    %mul3A_0 = arith.muli %arg1, %mul3A : i32
    %add3A = arith.addi %mul3A_0, %arg0 : i32
    %mul3A_1 = arith.constant 32 : i32
    %mul3A_2 = arith.muli %add3A, %mul3A_1 : i32
    "tpu.region"() ({
      %run_scoped3A = tpu.sem_alloc : memref<!tpu.dma_semaphore, #tpu.memory_space<semaphore_mem>>
      %dma_start3A_236 = arith.constant 0 : i32
      %dma_start3A_237 = tpu.memref_slice %arg3[%mul3A_2, %dma_start3A_236] : memref<1024x768xf32, #tpu.memory_space<hbm>> -> memref<32x768xf32, #tpu.memory_space<hbm>>
      %dma_start3A_238 = arith.constant 0 : i32
      %dma_start3A_239 = tpu.memref_slice %arg3[%mul3A_2, %dma_start3A_238] : memref<1024x768xf32, #tpu.memory_space<hbm>> -> memref<32x768xf32, #tpu.memory_space<hbm>>
      tpu.enqueue_dma source(%dma_start3A_239 : memref<32x768xf32, #tpu.memory_space<hbm>>) target(%arg5 : memref<32x768xf32, #tpu.memory_space<vmem>>) target_semaphore(%run_scoped3A : memref<!tpu.dma_semaphore, #tpu.memory_space<semaphore_mem>>)
      %dma_wait3A_240 = arith.constant 0 : i32
      %dma_wait3A_241 = tpu.memref_slice %arg3[%mul3A_2, %dma_wait3A_240] : memref<1024x768xf32, #tpu.memory_space<hbm>> -> memref<32x768xf32, #tpu.memory_space<hbm>>
      %dma_wait3A_242 = arith.constant 0 : i32
      %dma_wait3A_243 = tpu.memref_slice %arg3[%mul3A_2, %dma_wait3A_242] : memref<1024x768xf32, #tpu.memory_space<hbm>> -> memref<32x768xf32, #tpu.memory_space<hbm>>
      tpu.wait_dma2 semaphore(%run_scoped3A : memref<!tpu.dma_semaphore, #tpu.memory_space<semaphore_mem>>) src(%dma_wait3A_243 : memref<32x768xf32, #tpu.memory_space<hbm>>) dst(%arg5 : memref<32x768xf32, #tpu.memory_space<vmem>>)
      tpu.yield
    }) : () -> ()
    %div3A = arith.constant 0 : i32
    %div3A_3 = arith.constant 4 : i32
    %div3A_4 = arith.divsi %div3A, %div3A_3 : i32
    %rem3A = arith.constant 0 : i32
    %rem3A_5 = arith.constant 4 : i32
    %rem3A_6 = arith.remsi %rem3A, %rem3A_5 : i32
    %mul3A_7 = arith.constant 2 : i32
    %mul3A_8 = arith.muli %div3A_4, %mul3A_7 : i32
    %mul3A_9 = arith.constant 8 : i32
    %mul3A_10 = arith.muli %rem3A_6, %mul3A_9 : i32
    %add3A_11 = arith.addi %mul3A_2, %mul3A_10 : i32
    %dma_start3A = arith.constant 0 : i32
    %dma_start3A_12 = arith.constant 0 : i32
    %dma_start3A_13 = arith.constant 0 : i32
    %dma_start3A_14 = arith.constant 0 : i32
    %dma_start3A_15 = arith.constant 0 : i32
    %dma_start3A_16 = tpu.memref_slice %arg6[%dma_start3A, %dma_start3A_13, %dma_start3A_14, %dma_start3A_15] : memref<8x2x8x768xf32, #tpu.memory_space<vmem>> -> memref<1x2x8x768xf32, #tpu.memory_space<vmem>>
    %dma_start3A_17 = tpu.memref_squeeze %dma_start3A_16 : memref<1x2x8x768xf32, #tpu.memory_space<vmem>> -> memref<2x8x768xf32, #tpu.memory_space<vmem>>
    %dma_start3A_18 = arith.constant 0 : i32
    %dma_start3A_19 = tpu.memref_slice %arg2[%mul3A_8, %add3A_11, %dma_start3A_18] : memref<64x1024x768xf32, #tpu.memory_space<hbm>> -> memref<2x8x768xf32, #tpu.memory_space<hbm>>
    %dma_start3A_20 = tpu.memref_slice %arg7[%dma_start3A_12] : memref<8x!tpu.dma_semaphore, #tpu.memory_space<semaphore_mem>> -> memref<1x!tpu.dma_semaphore, #tpu.memory_space<semaphore_mem>>
    %dma_start3A_21 = tpu.memref_squeeze %dma_start3A_20 : memref<1x!tpu.dma_semaphore, #tpu.memory_space<semaphore_mem>> -> memref<!tpu.dma_semaphore, #tpu.memory_space<semaphore_mem>>
    %dma_start3A_22 = arith.constant 0 : i32
    %dma_start3A_23 = arith.constant 0 : i32
    %dma_start3A_24 = arith.constant 0 : i32
    %dma_start3A_25 = tpu.memref_slice %arg6[%dma_start3A, %dma_start3A_22, %dma_start3A_23, %dma_start3A_24] : memref<8x2x8x768xf32, #tpu.memory_space<vmem>> -> memref<1x2x8x768xf32, #tpu.memory_space<vmem>>
    %dma_start3A_26 = tpu.memref_squeeze %dma_start3A_25 : memref<1x2x8x768xf32, #tpu.memory_space<vmem>> -> memref<2x8x768xf32, #tpu.memory_space<vmem>>
    %dma_start3A_27 = arith.constant 0 : i32
    %dma_start3A_28 = tpu.memref_slice %arg2[%mul3A_8, %add3A_11, %dma_start3A_27] : memref<64x1024x768xf32, #tpu.memory_space<hbm>> -> memref<2x8x768xf32, #tpu.memory_space<hbm>>
    tpu.enqueue_dma source(%dma_start3A_28 : memref<2x8x768xf32, #tpu.memory_space<hbm>>) target(%dma_start3A_26 : memref<2x8x768xf32, #tpu.memory_space<vmem>>) target_semaphore(%dma_start3A_21 : memref<!tpu.dma_semaphore, #tpu.memory_space<semaphore_mem>>)
    %div3A_29 = arith.constant 1 : i32
    %div3A_30 = arith.constant 4 : i32
    %div3A_31 = arith.divsi %div3A_29, %div3A_30 : i32
    %rem3A_32 = arith.constant 1 : i32
    %rem3A_33 = arith.constant 4 : i32
    %rem3A_34 = arith.remsi %rem3A_32, %rem3A_33 : i32
    %mul3A_35 = arith.constant 2 : i32
    %mul3A_36 = arith.muli %div3A_31, %mul3A_35 : i32
    %mul3A_37 = arith.constant 8 : i32
    %mul3A_38 = arith.muli %rem3A_34, %mul3A_37 : i32
    %add3A_39 = arith.addi %mul3A_2, %mul3A_38 : i32
    %dma_start3A_40 = arith.constant 1 : i32
    %dma_start3A_41 = arith.constant 1 : i32
    %dma_start3A_42 = arith.constant 0 : i32
    %dma_start3A_43 = arith.constant 0 : i32
    %dma_start3A_44 = arith.constant 0 : i32
    %dma_start3A_45 = tpu.memref_slice %arg6[%dma_start3A_40, %dma_start3A_42, %dma_start3A_43, %dma_start3A_44] : memref<8x2x8x768xf32, #tpu.memory_space<vmem>> -> memref<1x2x8x768xf32, #tpu.memory_space<vmem>>
    %dma_start3A_46 = tpu.memref_squeeze %dma_start3A_45 : memref<1x2x8x768xf32, #tpu.memory_space<vmem>> -> memref<2x8x768xf32, #tpu.memory_space<vmem>>
    %dma_start3A_47 = arith.constant 0 : i32
    %dma_start3A_48 = tpu.memref_slice %arg2[%mul3A_36, %add3A_39, %dma_start3A_47] : memref<64x1024x768xf32, #tpu.memory_space<hbm>> -> memref<2x8x768xf32, #tpu.memory_space<hbm>>
    %dma_start3A_49 = tpu.memref_slice %arg7[%dma_start3A_41] : memref<8x!tpu.dma_semaphore, #tpu.memory_space<semaphore_mem>> -> memref<1x!tpu.dma_semaphore, #tpu.memory_space<semaphore_mem>>
    %dma_start3A_50 = tpu.memref_squeeze %dma_start3A_49 : memref<1x!tpu.dma_semaphore, #tpu.memory_space<semaphore_mem>> -> memref<!tpu.dma_semaphore, #tpu.memory_space<semaphore_mem>>
    %dma_start3A_51 = arith.constant 0 : i32
    %dma_start3A_52 = arith.constant 0 : i32
    %dma_start3A_53 = arith.constant 0 : i32
    %dma_start3A_54 = tpu.memref_slice %arg6[%dma_start3A_40, %dma_start3A_51, %dma_start3A_52, %dma_start3A_53] : memref<8x2x8x768xf32, #tpu.memory_space<vmem>> -> memref<1x2x8x768xf32, #tpu.memory_space<vmem>>
    %dma_start3A_55 = tpu.memref_squeeze %dma_start3A_54 : memref<1x2x8x768xf32, #tpu.memory_space<vmem>> -> memref<2x8x768xf32, #tpu.memory_space<vmem>>
    %dma_start3A_56 = arith.constant 0 : i32
    %dma_start3A_57 = tpu.memref_slice %arg2[%mul3A_36, %add3A_39, %dma_start3A_56] : memref<64x1024x768xf32, #tpu.memory_space<hbm>> -> memref<2x8x768xf32, #tpu.memory_space<hbm>>
    tpu.enqueue_dma source(%dma_start3A_57 : memref<2x8x768xf32, #tpu.memory_space<hbm>>) target(%dma_start3A_55 : memref<2x8x768xf32, #tpu.memory_space<vmem>>) target_semaphore(%dma_start3A_50 : memref<!tpu.dma_semaphore, #tpu.memory_space<semaphore_mem>>)
    %div3A_58 = arith.constant 2 : i32
    %div3A_59 = arith.constant 4 : i32
    %div3A_60 = arith.divsi %div3A_58, %div3A_59 : i32
    %rem3A_61 = arith.constant 2 : i32
    %rem3A_62 = arith.constant 4 : i32
    %rem3A_63 = arith.remsi %rem3A_61, %rem3A_62 : i32
    %mul3A_64 = arith.constant 2 : i32
    %mul3A_65 = arith.muli %div3A_60, %mul3A_64 : i32
    %mul3A_66 = arith.constant 8 : i32
    %mul3A_67 = arith.muli %rem3A_63, %mul3A_66 : i32
    %add3A_68 = arith.addi %mul3A_2, %mul3A_67 : i32
    %dma_start3A_69 = arith.constant 2 : i32
    %dma_start3A_70 = arith.constant 2 : i32
    %dma_start3A_71 = arith.constant 0 : i32
    %dma_start3A_72 = arith.constant 0 : i32
    %dma_start3A_73 = arith.constant 0 : i32
    %dma_start3A_74 = tpu.memref_slice %arg6[%dma_start3A_69, %dma_start3A_71, %dma_start3A_72, %dma_start3A_73] : memref<8x2x8x768xf32, #tpu.memory_space<vmem>> -> memref<1x2x8x768xf32, #tpu.memory_space<vmem>>
    %dma_start3A_75 = tpu.memref_squeeze %dma_start3A_74 : memref<1x2x8x768xf32, #tpu.memory_space<vmem>> -> memref<2x8x768xf32, #tpu.memory_space<vmem>>
    %dma_start3A_76 = arith.constant 0 : i32
    %dma_start3A_77 = tpu.memref_slice %arg2[%mul3A_65, %add3A_68, %dma_start3A_76] : memref<64x1024x768xf32, #tpu.memory_space<hbm>> -> memref<2x8x768xf32, #tpu.memory_space<hbm>>
    %dma_start3A_78 = tpu.memref_slice %arg7[%dma_start3A_70] : memref<8x!tpu.dma_semaphore, #tpu.memory_space<semaphore_mem>> -> memref<1x!tpu.dma_semaphore, #tpu.memory_space<semaphore_mem>>
    %dma_start3A_79 = tpu.memref_squeeze %dma_start3A_78 : memref<1x!tpu.dma_semaphore, #tpu.memory_space<semaphore_mem>> -> memref<!tpu.dma_semaphore, #tpu.memory_space<semaphore_mem>>
    %dma_start3A_80 = arith.constant 0 : i32
    %dma_start3A_81 = arith.constant 0 : i32
    %dma_start3A_82 = arith.constant 0 : i32
    %dma_start3A_83 = tpu.memref_slice %arg6[%dma_start3A_69, %dma_start3A_80, %dma_start3A_81, %dma_start3A_82] : memref<8x2x8x768xf32, #tpu.memory_space<vmem>> -> memref<1x2x8x768xf32, #tpu.memory_space<vmem>>
    %dma_start3A_84 = tpu.memref_squeeze %dma_start3A_83 : memref<1x2x8x768xf32, #tpu.memory_space<vmem>> -> memref<2x8x768xf32, #tpu.memory_space<vmem>>
    %dma_start3A_85 = arith.constant 0 : i32
    %dma_start3A_86 = tpu.memref_slice %arg2[%mul3A_65, %add3A_68, %dma_start3A_85] : memref<64x1024x768xf32, #tpu.memory_space<hbm>> -> memref<2x8x768xf32, #tpu.memory_space<hbm>>
    tpu.enqueue_dma source(%dma_start3A_86 : memref<2x8x768xf32, #tpu.memory_space<hbm>>) target(%dma_start3A_84 : memref<2x8x768xf32, #tpu.memory_space<vmem>>) target_semaphore(%dma_start3A_79 : memref<!tpu.dma_semaphore, #tpu.memory_space<semaphore_mem>>)
    %div3A_87 = arith.constant 3 : i32
    %div3A_88 = arith.constant 4 : i32
    %div3A_89 = arith.divsi %div3A_87, %div3A_88 : i32
    %rem3A_90 = arith.constant 3 : i32
    %rem3A_91 = arith.constant 4 : i32
    %rem3A_92 = arith.remsi %rem3A_90, %rem3A_91 : i32
    %mul3A_93 = arith.constant 2 : i32
    %mul3A_94 = arith.muli %div3A_89, %mul3A_93 : i32
    %mul3A_95 = arith.constant 8 : i32
    %mul3A_96 = arith.muli %rem3A_92, %mul3A_95 : i32
    %add3A_97 = arith.addi %mul3A_2, %mul3A_96 : i32
    %dma_start3A_98 = arith.constant 3 : i32
    %dma_start3A_99 = arith.constant 3 : i32
    %dma_start3A_100 = arith.constant 0 : i32
    %dma_start3A_101 = arith.constant 0 : i32
    %dma_start3A_102 = arith.constant 0 : i32
    %dma_start3A_103 = tpu.memref_slice %arg6[%dma_start3A_98, %dma_start3A_100, %dma_start3A_101, %dma_start3A_102] : memref<8x2x8x768xf32, #tpu.memory_space<vmem>> -> memref<1x2x8x768xf32, #tpu.memory_space<vmem>>
    %dma_start3A_104 = tpu.memref_squeeze %dma_start3A_103 : memref<1x2x8x768xf32, #tpu.memory_space<vmem>> -> memref<2x8x768xf32, #tpu.memory_space<vmem>>
    %dma_start3A_105 = arith.constant 0 : i32
    %dma_start3A_106 = tpu.memref_slice %arg2[%mul3A_94, %add3A_97, %dma_start3A_105] : memref<64x1024x768xf32, #tpu.memory_space<hbm>> -> memref<2x8x768xf32, #tpu.memory_space<hbm>>
    %dma_start3A_107 = tpu.memref_slice %arg7[%dma_start3A_99] : memref<8x!tpu.dma_semaphore, #tpu.memory_space<semaphore_mem>> -> memref<1x!tpu.dma_semaphore, #tpu.memory_space<semaphore_mem>>
    %dma_start3A_108 = tpu.memref_squeeze %dma_start3A_107 : memref<1x!tpu.dma_semaphore, #tpu.memory_space<semaphore_mem>> -> memref<!tpu.dma_semaphore, #tpu.memory_space<semaphore_mem>>
    %dma_start3A_109 = arith.constant 0 : i32
    %dma_start3A_110 = arith.constant 0 : i32
    %dma_start3A_111 = arith.constant 0 : i32
    %dma_start3A_112 = tpu.memref_slice %arg6[%dma_start3A_98, %dma_start3A_109, %dma_start3A_110, %dma_start3A_111] : memref<8x2x8x768xf32, #tpu.memory_space<vmem>> -> memref<1x2x8x768xf32, #tpu.memory_space<vmem>>
    %dma_start3A_113 = tpu.memref_squeeze %dma_start3A_112 : memref<1x2x8x768xf32, #tpu.memory_space<vmem>> -> memref<2x8x768xf32, #tpu.memory_space<vmem>>
    %dma_start3A_114 = arith.constant 0 : i32
    %dma_start3A_115 = tpu.memref_slice %arg2[%mul3A_94, %add3A_97, %dma_start3A_114] : memref<64x1024x768xf32, #tpu.memory_space<hbm>> -> memref<2x8x768xf32, #tpu.memory_space<hbm>>
    tpu.enqueue_dma source(%dma_start3A_115 : memref<2x8x768xf32, #tpu.memory_space<hbm>>) target(%dma_start3A_113 : memref<2x8x768xf32, #tpu.memory_space<vmem>>) target_semaphore(%dma_start3A_108 : memref<!tpu.dma_semaphore, #tpu.memory_space<semaphore_mem>>)
    %scan3A = arith.constant 0 : i32
    %scan3A_116 = arith.constant 0 : i32
    %scan3A_117 = arith.constant 128 : i32
    %scan3A_118 = arith.addi %scan3A_116, %scan3A_117 : i32
    %scan3A_119 = arith.constant 1 : i32
    scf.for %scan3A_236 = %scan3A_116 to %scan3A_118 step %scan3A_119  : i32 {
      %rem3A_237 = arith.constant 8 : i32
      %rem3A_238 = arith.remsi %scan3A_236, %rem3A_237 : i32
      %add3A_239 = arith.constant 4 : i32
      %add3A_240 = arith.addi %scan3A_236, %add3A_239 : i32
      %rem3A_241 = arith.constant 8 : i32
      %rem3A_242 = arith.remsi %add3A_240, %rem3A_241 : i32
      %div3A_243 = arith.constant 4 : i32
      %div3A_244 = arith.divsi %scan3A_236, %div3A_243 : i32
      %rem3A_245 = arith.constant 4 : i32
      %rem3A_246 = arith.remsi %scan3A_236, %rem3A_245 : i32
      %mul3A_247 = arith.constant 2 : i32
      %mul3A_248 = arith.muli %div3A_244, %mul3A_247 : i32
      %mul3A_249 = arith.constant 8 : i32
      %mul3A_250 = arith.muli %rem3A_246, %mul3A_249 : i32
      %add3A_251 = arith.addi %mul3A_2, %mul3A_250 : i32
      %div3A_252 = arith.constant 4 : i32
      %div3A_253 = arith.divsi %scan3A_236, %div3A_252 : i32
      %rem3A_254 = arith.constant 4 : i32
      %rem3A_255 = arith.remsi %scan3A_236, %rem3A_254 : i32
      %mul3A_256 = arith.constant 2 : i32
      %mul3A_257 = arith.muli %div3A_253, %mul3A_256 : i32
      %mul3A_258 = arith.constant 8 : i32
      %mul3A_259 = arith.muli %rem3A_255, %mul3A_258 : i32
      %add3A_260 = arith.addi %mul3A_2, %mul3A_259 : i32
      %dma_wait3A_261 = arith.constant 0 : i32
      %dma_wait3A_262 = arith.constant 0 : i32
      %dma_wait3A_263 = arith.constant 0 : i32
      %dma_wait3A_264 = tpu.memref_slice %arg6[%rem3A_238, %dma_wait3A_261, %dma_wait3A_262, %dma_wait3A_263] : memref<8x2x8x768xf32, #tpu.memory_space<vmem>> -> memref<1x2x8x768xf32, #tpu.memory_space<vmem>>
      %dma_wait3A_265 = tpu.memref_squeeze %dma_wait3A_264 : memref<1x2x8x768xf32, #tpu.memory_space<vmem>> -> memref<2x8x768xf32, #tpu.memory_space<vmem>>
      %dma_wait3A_266 = arith.constant 0 : i32
      %dma_wait3A_267 = tpu.memref_slice %arg2[%mul3A_257, %add3A_260, %dma_wait3A_266] : memref<64x1024x768xf32, #tpu.memory_space<hbm>> -> memref<2x8x768xf32, #tpu.memory_space<hbm>>
      %dma_wait3A_268 = tpu.memref_slice %arg7[%rem3A_238] : memref<8x!tpu.dma_semaphore, #tpu.memory_space<semaphore_mem>> -> memref<1x!tpu.dma_semaphore, #tpu.memory_space<semaphore_mem>>
      %dma_wait3A_269 = tpu.memref_squeeze %dma_wait3A_268 : memref<1x!tpu.dma_semaphore, #tpu.memory_space<semaphore_mem>> -> memref<!tpu.dma_semaphore, #tpu.memory_space<semaphore_mem>>
      %dma_wait3A_270 = arith.constant 0 : i32
      %dma_wait3A_271 = arith.constant 0 : i32
      %dma_wait3A_272 = arith.constant 0 : i32
      %dma_wait3A_273 = tpu.memref_slice %arg6[%rem3A_238, %dma_wait3A_270, %dma_wait3A_271, %dma_wait3A_272] : memref<8x2x8x768xf32, #tpu.memory_space<vmem>> -> memref<1x2x8x768xf32, #tpu.memory_space<vmem>>
      %dma_wait3A_274 = tpu.memref_squeeze %dma_wait3A_273 : memref<1x2x8x768xf32, #tpu.memory_space<vmem>> -> memref<2x8x768xf32, #tpu.memory_space<vmem>>
      %dma_wait3A_275 = arith.constant 0 : i32
      %dma_wait3A_276 = tpu.memref_slice %arg2[%mul3A_257, %add3A_260, %dma_wait3A_275] : memref<64x1024x768xf32, #tpu.memory_space<hbm>> -> memref<2x8x768xf32, #tpu.memory_space<hbm>>
      tpu.wait_dma2 semaphore(%dma_wait3A_269 : memref<!tpu.dma_semaphore, #tpu.memory_space<semaphore_mem>>) src(%dma_wait3A_276 : memref<2x8x768xf32, #tpu.memory_space<hbm>>) dst(%dma_wait3A_274 : memref<2x8x768xf32, #tpu.memory_space<vmem>>)
      %ge3A = arith.constant 4 : i32
      %ge3A_277 = arith.cmpi sge, %scan3A_236, %ge3A : i32
      %convert_element_type3A = arith.extui %ge3A_277 : i1 to i32
      %cond3A = arith.constant 0 : i32
      %cond3A_278 = arith.cmpi ne, %convert_element_type3A, %cond3A : i32
      scf.if %cond3A_278 {
        %sub3A = arith.constant 4 : i32
        %sub3A_318 = arith.subi %scan3A_236, %sub3A : i32
        %div3A_319 = arith.constant 4 : i32
        %div3A_320 = arith.divsi %sub3A_318, %div3A_319 : i32
        %rem3A_321 = arith.constant 4 : i32
        %rem3A_322 = arith.remsi %sub3A_318, %rem3A_321 : i32
        %mul3A_323 = arith.constant 2 : i32
        %mul3A_324 = arith.muli %div3A_320, %mul3A_323 : i32
        %mul3A_325 = arith.constant 8 : i32
        %mul3A_326 = arith.muli %rem3A_322, %mul3A_325 : i32
        %add3A_327 = arith.addi %mul3A_2, %mul3A_326 : i32
        %dma_wait3A_328 = arith.constant 0 : i32
        %dma_wait3A_329 = arith.constant 0 : i32
        %dma_wait3A_330 = arith.constant 0 : i32
        %dma_wait3A_331 = tpu.memref_slice %arg6[%rem3A_242, %dma_wait3A_328, %dma_wait3A_329, %dma_wait3A_330] : memref<8x2x8x768xf32, #tpu.memory_space<vmem>> -> memref<1x2x8x768xf32, #tpu.memory_space<vmem>>
        %dma_wait3A_332 = tpu.memref_squeeze %dma_wait3A_331 : memref<1x2x8x768xf32, #tpu.memory_space<vmem>> -> memref<2x8x768xf32, #tpu.memory_space<vmem>>
        %dma_wait3A_333 = arith.constant 0 : i32
        %dma_wait3A_334 = tpu.memref_slice %arg4[%mul3A_324, %add3A_327, %dma_wait3A_333] : memref<64x1024x768xf32, #tpu.memory_space<hbm>> -> memref<2x8x768xf32, #tpu.memory_space<hbm>>
        %dma_wait3A_335 = tpu.memref_slice %arg8[%rem3A_242] : memref<8x!tpu.dma_semaphore, #tpu.memory_space<semaphore_mem>> -> memref<1x!tpu.dma_semaphore, #tpu.memory_space<semaphore_mem>>
        %dma_wait3A_336 = tpu.memref_squeeze %dma_wait3A_335 : memref<1x!tpu.dma_semaphore, #tpu.memory_space<semaphore_mem>> -> memref<!tpu.dma_semaphore, #tpu.memory_space<semaphore_mem>>
        %dma_wait3A_337 = arith.constant 0 : i32
        %dma_wait3A_338 = tpu.memref_slice %arg4[%mul3A_324, %add3A_327, %dma_wait3A_337] : memref<64x1024x768xf32, #tpu.memory_space<hbm>> -> memref<2x8x768xf32, #tpu.memory_space<hbm>>
        %dma_wait3A_339 = arith.constant 0 : i32
        %dma_wait3A_340 = arith.constant 0 : i32
        %dma_wait3A_341 = arith.constant 0 : i32
        %dma_wait3A_342 = tpu.memref_slice %arg6[%rem3A_242, %dma_wait3A_339, %dma_wait3A_340, %dma_wait3A_341] : memref<8x2x8x768xf32, #tpu.memory_space<vmem>> -> memref<1x2x8x768xf32, #tpu.memory_space<vmem>>
        %dma_wait3A_343 = tpu.memref_squeeze %dma_wait3A_342 : memref<1x2x8x768xf32, #tpu.memory_space<vmem>> -> memref<2x8x768xf32, #tpu.memory_space<vmem>>
        tpu.wait_dma2 semaphore(%dma_wait3A_336 : memref<!tpu.dma_semaphore, #tpu.memory_space<semaphore_mem>>) src(%dma_wait3A_343 : memref<2x8x768xf32, #tpu.memory_space<vmem>>) dst(%dma_wait3A_338 : memref<2x8x768xf32, #tpu.memory_space<hbm>>)
      } else {
      }
      %add3A_279 = arith.constant 4 : i32
      %add3A_280 = arith.addi %scan3A_236, %add3A_279 : i32
      %lt3A = arith.constant 128 : i32
      %lt3A_281 = arith.cmpi slt, %add3A_280, %lt3A : i32
      %convert_element_type3A_282 = arith.extui %lt3A_281 : i1 to i32
      %cond3A_283 = arith.constant 0 : i32
      %cond3A_284 = arith.cmpi ne, %convert_element_type3A_282, %cond3A_283 : i32
      scf.if %cond3A_284 {
        %add3A_318 = arith.constant 4 : i32
        %add3A_319 = arith.addi %scan3A_236, %add3A_318 : i32
        %div3A_320 = arith.constant 4 : i32
        %div3A_321 = arith.divsi %add3A_319, %div3A_320 : i32
        %rem3A_322 = arith.constant 4 : i32
        %rem3A_323 = arith.remsi %add3A_319, %rem3A_322 : i32
        %mul3A_324 = arith.constant 2 : i32
        %mul3A_325 = arith.muli %div3A_321, %mul3A_324 : i32
        %mul3A_326 = arith.constant 8 : i32
        %mul3A_327 = arith.muli %rem3A_323, %mul3A_326 : i32
        %add3A_328 = arith.addi %mul3A_2, %mul3A_327 : i32
        %dma_start3A_329 = arith.constant 0 : i32
        %dma_start3A_330 = arith.constant 0 : i32
        %dma_start3A_331 = arith.constant 0 : i32
        %dma_start3A_332 = tpu.memref_slice %arg6[%rem3A_242, %dma_start3A_329, %dma_start3A_330, %dma_start3A_331] : memref<8x2x8x768xf32, #tpu.memory_space<vmem>> -> memref<1x2x8x768xf32, #tpu.memory_space<vmem>>
        %dma_start3A_333 = tpu.memref_squeeze %dma_start3A_332 : memref<1x2x8x768xf32, #tpu.memory_space<vmem>> -> memref<2x8x768xf32, #tpu.memory_space<vmem>>
        %dma_start3A_334 = arith.constant 0 : i32
        %dma_start3A_335 = tpu.memref_slice %arg2[%mul3A_325, %add3A_328, %dma_start3A_334] : memref<64x1024x768xf32, #tpu.memory_space<hbm>> -> memref<2x8x768xf32, #tpu.memory_space<hbm>>
        %dma_start3A_336 = tpu.memref_slice %arg7[%rem3A_242] : memref<8x!tpu.dma_semaphore, #tpu.memory_space<semaphore_mem>> -> memref<1x!tpu.dma_semaphore, #tpu.memory_space<semaphore_mem>>
        %dma_start3A_337 = tpu.memref_squeeze %dma_start3A_336 : memref<1x!tpu.dma_semaphore, #tpu.memory_space<semaphore_mem>> -> memref<!tpu.dma_semaphore, #tpu.memory_space<semaphore_mem>>
        %dma_start3A_338 = arith.constant 0 : i32
        %dma_start3A_339 = arith.constant 0 : i32
        %dma_start3A_340 = arith.constant 0 : i32
        %dma_start3A_341 = tpu.memref_slice %arg6[%rem3A_242, %dma_start3A_338, %dma_start3A_339, %dma_start3A_340] : memref<8x2x8x768xf32, #tpu.memory_space<vmem>> -> memref<1x2x8x768xf32, #tpu.memory_space<vmem>>
        %dma_start3A_342 = tpu.memref_squeeze %dma_start3A_341 : memref<1x2x8x768xf32, #tpu.memory_space<vmem>> -> memref<2x8x768xf32, #tpu.memory_space<vmem>>
        %dma_start3A_343 = arith.constant 0 : i32
        %dma_start3A_344 = tpu.memref_slice %arg2[%mul3A_325, %add3A_328, %dma_start3A_343] : memref<64x1024x768xf32, #tpu.memory_space<hbm>> -> memref<2x8x768xf32, #tpu.memory_space<hbm>>
        tpu.enqueue_dma source(%dma_start3A_344 : memref<2x8x768xf32, #tpu.memory_space<hbm>>) target(%dma_start3A_342 : memref<2x8x768xf32, #tpu.memory_space<vmem>>) target_semaphore(%dma_start3A_337 : memref<!tpu.dma_semaphore, #tpu.memory_space<semaphore_mem>>)
      } else {
      }
      %mul3A_285 = arith.constant 8 : i32
      %mul3A_286 = arith.muli %rem3A_246, %mul3A_285 : i32
      %scan3A_287 = arith.constant 0 : i32
      %scan3A_288 = arith.constant 0 : i32
      %scan3A_289 = arith.constant 8 : i32
      %scan3A_290 = arith.addi %scan3A_288, %scan3A_289 : i32
      %scan3A_291 = arith.constant 1 : i32
      scf.for %scan3A_318 = %scan3A_288 to %scan3A_290 step %scan3A_291  : i32 {
        %add3A_319 = arith.addi %mul3A_286, %scan3A_318 : i32
        %get3A = arith.index_cast %add3A_319 : i32 to index
        %get3A_320 = arith.constant 0 : index
        %get3A_321 = tpu.vector_load %arg5[%get3A, %get3A_320] {strides = array<i32>} : memref<32x768xf32, #tpu.memory_space<vmem>>, vector<1x16xf32>,
        %get3A_322 = vector.shape_cast %get3A_321 : vector<1x16xf32> to vector<16xf32>
        %get3A_323 = arith.index_cast %add3A_319 : i32 to index
        %get3A_324 = arith.constant 16 : index
        %get3A_325 = tpu.vector_load %arg5[%get3A_323, %get3A_324] {strides = array<i32>} : memref<32x768xf32, #tpu.memory_space<vmem>>, vector<1x16xf32>,
        %get3A_326 = vector.shape_cast %get3A_325 : vector<1x16xf32> to vector<16xf32>
        %get3A_327 = arith.index_cast %add3A_319 : i32 to index
        %get3A_328 = arith.constant 32 : index
        %get3A_329 = tpu.vector_load %arg5[%get3A_327, %get3A_328] {strides = array<i32>} : memref<32x768xf32, #tpu.memory_space<vmem>>, vector<1x16xf32>,
        %get3A_330 = vector.shape_cast %get3A_329 : vector<1x16xf32> to vector<16xf32>
        %get3A_331 = arith.index_cast %add3A_319 : i32 to index
        %get3A_332 = arith.constant 48 : index
        %get3A_333 = tpu.vector_load %arg5[%get3A_331, %get3A_332] {strides = array<i32>} : memref<32x768xf32, #tpu.memory_space<vmem>>, vector<1x16xf32>,
        %get3A_334 = vector.shape_cast %get3A_333 : vector<1x16xf32> to vector<16xf32>
        %swap3A = arith.constant 0 : i32
        %swap3A_335 = arith.index_cast %rem3A_238 : i32 to index
        %swap3A_336 = arith.index_cast %swap3A : i32 to index
        %swap3A_337 = arith.index_cast %scan3A_318 : i32 to index
        %swap3A_338 = arith.constant 0 : index
        %swap3A_339 = tpu.vector_load %arg6[%swap3A_335, %swap3A_336, %swap3A_337, %swap3A_338] {strides = array<i32>} : memref<8x2x8x768xf32, #tpu.memory_space<vmem>>, vector<1x1x1x16xf32>,
        %swap3A_340 = vector.shape_cast %swap3A_339 : vector<1x1x1x16xf32> to vector<16xf32>
        %swap3A_341 = vector.shape_cast %get3A_322 : vector<16xf32> to vector<1x1x1x16xf32>
        tpu.vector_store %arg6[%swap3A_335, %swap3A_336, %swap3A_337, %swap3A_338], %swap3A_341 {add = true, strides = array<i32>} : memref<8x2x8x768xf32, #tpu.memory_space<vmem>>, vector<1x1x1x16xf32>,
        %swap3A_342 = arith.constant 0 : i32
        %swap3A_343 = arith.index_cast %rem3A_238 : i32 to index
        %swap3A_344 = arith.index_cast %swap3A_342 : i32 to index
        %swap3A_345 = arith.index_cast %scan3A_318 : i32 to index
        %swap3A_346 = arith.constant 16 : index
        %swap3A_347 = tpu.vector_load %arg6[%swap3A_343, %swap3A_344, %swap3A_345, %swap3A_346] {strides = array<i32>} : memref<8x2x8x768xf32, #tpu.memory_space<vmem>>, vector<1x1x1x16xf32>,
        %swap3A_348 = vector.shape_cast %swap3A_347 : vector<1x1x1x16xf32> to vector<16xf32>
        %swap3A_349 = vector.shape_cast %get3A_326 : vector<16xf32> to vector<1x1x1x16xf32>
        tpu.vector_store %arg6[%swap3A_343, %swap3A_344, %swap3A_345, %swap3A_346], %swap3A_349 {add = true, strides = array<i32>} : memref<8x2x8x768xf32, #tpu.memory_space<vmem>>, vector<1x1x1x16xf32>,
        %swap3A_350 = arith.constant 0 : i32
        %swap3A_351 = arith.index_cast %rem3A_238 : i32 to index
        %swap3A_352 = arith.index_cast %swap3A_350 : i32 to index
        %swap3A_353 = arith.index_cast %scan3A_318 : i32 to index
        %swap3A_354 = arith.constant 32 : index
        %swap3A_355 = tpu.vector_load %arg6[%swap3A_351, %swap3A_352, %swap3A_353, %swap3A_354] {strides = array<i32>} : memref<8x2x8x768xf32, #tpu.memory_space<vmem>>, vector<1x1x1x16xf32>,
        %swap3A_356 = vector.shape_cast %swap3A_355 : vector<1x1x1x16xf32> to vector<16xf32>
        %swap3A_357 = vector.shape_cast %get3A_330 : vector<16xf32> to vector<1x1x1x16xf32>
        tpu.vector_store %arg6[%swap3A_351, %swap3A_352, %swap3A_353, %swap3A_354], %swap3A_357 {add = true, strides = array<i32>} : memref<8x2x8x768xf32, #tpu.memory_space<vmem>>, vector<1x1x1x16xf32>,
        %swap3A_358 = arith.constant 0 : i32
        %swap3A_359 = arith.index_cast %rem3A_238 : i32 to index
        %swap3A_360 = arith.index_cast %swap3A_358 : i32 to index
        %swap3A_361 = arith.index_cast %scan3A_318 : i32 to index
        %swap3A_362 = arith.constant 48 : index
        %swap3A_363 = tpu.vector_load %arg6[%swap3A_359, %swap3A_360, %swap3A_361, %swap3A_362] {strides = array<i32>} : memref<8x2x8x768xf32, #tpu.memory_space<vmem>>, vector<1x1x1x16xf32>,
        %swap3A_364 = vector.shape_cast %swap3A_363 : vector<1x1x1x16xf32> to vector<16xf32>
        %swap3A_365 = vector.shape_cast %get3A_334 : vector<16xf32> to vector<1x1x1x16xf32>
        tpu.vector_store %arg6[%swap3A_359, %swap3A_360, %swap3A_361, %swap3A_362], %swap3A_365 {add = true, strides = array<i32>} : memref<8x2x8x768xf32, #tpu.memory_space<vmem>>, vector<1x1x1x16xf32>,
        %swap3A_366 = arith.constant 1 : i32
        %swap3A_367 = arith.index_cast %rem3A_238 : i32 to index
        %swap3A_368 = arith.index_cast %swap3A_366 : i32 to index
        %swap3A_369 = arith.index_cast %scan3A_318 : i32 to index
        %swap3A_370 = arith.constant 0 : index
        %swap3A_371 = tpu.vector_load %arg6[%swap3A_367, %swap3A_368, %swap3A_369, %swap3A_370] {strides = array<i32>} : memref<8x2x8x768xf32, #tpu.memory_space<vmem>>, vector<1x1x1x16xf32>,
        %swap3A_372 = vector.shape_cast %swap3A_371 : vector<1x1x1x16xf32> to vector<16xf32>
        %swap3A_373 = vector.shape_cast %get3A_322 : vector<16xf32> to vector<1x1x1x16xf32>
        tpu.vector_store %arg6[%swap3A_367, %swap3A_368, %swap3A_369, %swap3A_370], %swap3A_373 {add = true, strides = array<i32>} : memref<8x2x8x768xf32, #tpu.memory_space<vmem>>, vector<1x1x1x16xf32>,
        %swap3A_374 = arith.constant 1 : i32
        %swap3A_375 = arith.index_cast %rem3A_238 : i32 to index
        %swap3A_376 = arith.index_cast %swap3A_374 : i32 to index
        %swap3A_377 = arith.index_cast %scan3A_318 : i32 to index
        %swap3A_378 = arith.constant 16 : index
        %swap3A_379 = tpu.vector_load %arg6[%swap3A_375, %swap3A_376, %swap3A_377, %swap3A_378] {strides = array<i32>} : memref<8x2x8x768xf32, #tpu.memory_space<vmem>>, vector<1x1x1x16xf32>,
        %swap3A_380 = vector.shape_cast %swap3A_379 : vector<1x1x1x16xf32> to vector<16xf32>
        %swap3A_381 = vector.shape_cast %get3A_326 : vector<16xf32> to vector<1x1x1x16xf32>
        tpu.vector_store %arg6[%swap3A_375, %swap3A_376, %swap3A_377, %swap3A_378], %swap3A_381 {add = true, strides = array<i32>} : memref<8x2x8x768xf32, #tpu.memory_space<vmem>>, vector<1x1x1x16xf32>,
        %swap3A_382 = arith.constant 1 : i32
        %swap3A_383 = arith.index_cast %rem3A_238 : i32 to index
        %swap3A_384 = arith.index_cast %swap3A_382 : i32 to index
        %swap3A_385 = arith.index_cast %scan3A_318 : i32 to index
        %swap3A_386 = arith.constant 32 : index
        %swap3A_387 = tpu.vector_load %arg6[%swap3A_383, %swap3A_384, %swap3A_385, %swap3A_386] {strides = array<i32>} : memref<8x2x8x768xf32, #tpu.memory_space<vmem>>, vector<1x1x1x16xf32>,
        %swap3A_388 = vector.shape_cast %swap3A_387 : vector<1x1x1x16xf32> to vector<16xf32>
        %swap3A_389 = vector.shape_cast %get3A_330 : vector<16xf32> to vector<1x1x1x16xf32>
        tpu.vector_store %arg6[%swap3A_383, %swap3A_384, %swap3A_385, %swap3A_386], %swap3A_389 {add = true, strides = array<i32>} : memref<8x2x8x768xf32, #tpu.memory_space<vmem>>, vector<1x1x1x16xf32>,
        %swap3A_390 = arith.constant 1 : i32
        %swap3A_391 = arith.index_cast %rem3A_238 : i32 to index
        %swap3A_392 = arith.index_cast %swap3A_390 : i32 to index
        %swap3A_393 = arith.index_cast %scan3A_318 : i32 to index
        %swap3A_394 = arith.constant 48 : index
        %swap3A_395 = tpu.vector_load %arg6[%swap3A_391, %swap3A_392, %swap3A_393, %swap3A_394] {strides = array<i32>} : memref<8x2x8x768xf32, #tpu.memory_space<vmem>>, vector<1x1x1x16xf32>,
        %swap3A_396 = vector.shape_cast %swap3A_395 : vector<1x1x1x16xf32> to vector<16xf32>
        %swap3A_397 = vector.shape_cast %get3A_334 : vector<16xf32> to vector<1x1x1x16xf32>
        tpu.vector_store %arg6[%swap3A_391, %swap3A_392, %swap3A_393, %swap3A_394], %swap3A_397 {add = true, strides = array<i32>} : memref<8x2x8x768xf32, #tpu.memory_space<vmem>>, vector<1x1x1x16xf32>,
        %get3A_398 = arith.index_cast %add3A_319 : i32 to index
        %get3A_399 = arith.constant 64 : index
        %get3A_400 = tpu.vector_load %arg5[%get3A_398, %get3A_399] {strides = array<i32>} : memref<32x768xf32, #tpu.memory_space<vmem>>, vector<1x16xf32>,
        %get3A_401 = vector.shape_cast %get3A_400 : vector<1x16xf32> to vector<16xf32>
        %get3A_402 = arith.index_cast %add3A_319 : i32 to index
        %get3A_403 = arith.constant 80 : index
        %get3A_404 = tpu.vector_load %arg5[%get3A_402, %get3A_403] {strides = array<i32>} : memref<32x768xf32, #tpu.memory_space<vmem>>, vector<1x16xf32>,
        %get3A_405 = vector.shape_cast %get3A_404 : vector<1x16xf32> to vector<16xf32>
        %get3A_406 = arith.index_cast %add3A_319 : i32 to index
        %get3A_407 = arith.constant 96 : index
        %get3A_408 = tpu.vector_load %arg5[%get3A_406, %get3A_407] {strides = array<i32>} : memref<32x768xf32, #tpu.memory_space<vmem>>, vector<1x16xf32>,
        %get3A_409 = vector.shape_cast %get3A_408 : vector<1x16xf32> to vector<16xf32>
        %get3A_410 = arith.index_cast %add3A_319 : i32 to index
        %get3A_411 = arith.constant 112 : index
        %get3A_412 = tpu.vector_load %arg5[%get3A_410, %get3A_411] {strides = array<i32>} : memref<32x768xf32, #tpu.memory_space<vmem>>, vector<1x16xf32>,
        %get3A_413 = vector.shape_cast %get3A_412 : vector<1x16xf32> to vector<16xf32>
        %swap3A_414 = arith.constant 0 : i32
        %swap3A_415 = arith.index_cast %rem3A_238 : i32 to index
        %swap3A_416 = arith.index_cast %swap3A_414 : i32 to index
        %swap3A_417 = arith.index_cast %scan3A_318 : i32 to index
        %swap3A_418 = arith.constant 64 : index
        %swap3A_419 = tpu.vector_load %arg6[%swap3A_415, %swap3A_416, %swap3A_417, %swap3A_418] {strides = array<i32>} : memref<8x2x8x768xf32, #tpu.memory_space<vmem>>, vector<1x1x1x16xf32>,
        %swap3A_420 = vector.shape_cast %swap3A_419 : vector<1x1x1x16xf32> to vector<16xf32>
        %swap3A_421 = vector.shape_cast %get3A_401 : vector<16xf32> to vector<1x1x1x16xf32>
        tpu.vector_store %arg6[%swap3A_415, %swap3A_416, %swap3A_417, %swap3A_418], %swap3A_421 {add = true, strides = array<i32>} : memref<8x2x8x768xf32, #tpu.memory_space<vmem>>, vector<1x1x1x16xf32>,
        %swap3A_422 = arith.constant 0 : i32
        %swap3A_423 = arith.index_cast %rem3A_238 : i32 to index
        %swap3A_424 = arith.index_cast %swap3A_422 : i32 to index
        %swap3A_425 = arith.index_cast %scan3A_318 : i32 to index
        %swap3A_426 = arith.constant 80 : index
        %swap3A_427 = tpu.vector_load %arg6[%swap3A_423, %swap3A_424, %swap3A_425, %swap3A_426] {strides = array<i32>} : memref<8x2x8x768xf32, #tpu.memory_space<vmem>>, vector<1x1x1x16xf32>,
        %swap3A_428 = vector.shape_cast %swap3A_427 : vector<1x1x1x16xf32> to vector<16xf32>
        %swap3A_429 = vector.shape_cast %get3A_405 : vector<16xf32> to vector<1x1x1x16xf32>
        tpu.vector_store %arg6[%swap3A_423, %swap3A_424, %swap3A_425, %swap3A_426], %swap3A_429 {add = true, strides = array<i32>} : memref<8x2x8x768xf32, #tpu.memory_space<vmem>>, vector<1x1x1x16xf32>,
        %swap3A_430 = arith.constant 0 : i32
        %swap3A_431 = arith.index_cast %rem3A_238 : i32 to index
        %swap3A_432 = arith.index_cast %swap3A_430 : i32 to index
        %swap3A_433 = arith.index_cast %scan3A_318 : i32 to index
        %swap3A_434 = arith.constant 96 : index
        %swap3A_435 = tpu.vector_load %arg6[%swap3A_431, %swap3A_432, %swap3A_433, %swap3A_434] {strides = array<i32>} : memref<8x2x8x768xf32, #tpu.memory_space<vmem>>, vector<1x1x1x16xf32>,
        %swap3A_436 = vector.shape_cast %swap3A_435 : vector<1x1x1x16xf32> to vector<16xf32>
        %swap3A_437 = vector.shape_cast %get3A_409 : vector<16xf32> to vector<1x1x1x16xf32>
        tpu.vector_store %arg6[%swap3A_431, %swap3A_432, %swap3A_433, %swap3A_434], %swap3A_437 {add = true, strides = array<i32>} : memref<8x2x8x768xf32, #tpu.memory_space<vmem>>, vector<1x1x1x16xf32>,
        %swap3A_438 = arith.constant 0 : i32
        %swap3A_439 = arith.index_cast %rem3A_238 : i32 to index
        %swap3A_440 = arith.index_cast %swap3A_438 : i32 to index
        %swap3A_441 = arith.index_cast %scan3A_318 : i32 to index
        %swap3A_442 = arith.constant 112 : index
        %swap3A_443 = tpu.vector_load %arg6[%swap3A_439, %swap3A_440, %swap3A_441, %swap3A_442] {strides = array<i32>} : memref<8x2x8x768xf32, #tpu.memory_space<vmem>>, vector<1x1x1x16xf32>,
        %swap3A_444 = vector.shape_cast %swap3A_443 : vector<1x1x1x16xf32> to vector<16xf32>
        %swap3A_445 = vector.shape_cast %get3A_413 : vector<16xf32> to vector<1x1x1x16xf32>
        tpu.vector_store %arg6[%swap3A_439, %swap3A_440, %swap3A_441, %swap3A_442], %swap3A_445 {add = true, strides = array<i32>} : memref<8x2x8x768xf32, #tpu.memory_space<vmem>>, vector<1x1x1x16xf32>,
        %swap3A_446 = arith.constant 1 : i32
        %swap3A_447 = arith.index_cast %rem3A_238 : i32 to index
        %swap3A_448 = arith.index_cast %swap3A_446 : i32 to index
        %swap3A_449 = arith.index_cast %scan3A_318 : i32 to index
        %swap3A_450 = arith.constant 64 : index
        %swap3A_451 = tpu.vector_load %arg6[%swap3A_447, %swap3A_448, %swap3A_449, %swap3A_450] {strides = array<i32>} : memref<8x2x8x768xf32, #tpu.memory_space<vmem>>, vector<1x1x1x16xf32>,
        %swap3A_452 = vector.shape_cast %swap3A_451 : vector<1x1x1x16xf32> to vector<16xf32>
        %swap3A_453 = vector.shape_cast %get3A_401 : vector<16xf32> to vector<1x1x1x16xf32>
        tpu.vector_store %arg6[%swap3A_447, %swap3A_448, %swap3A_449, %swap3A_450], %swap3A_453 {add = true, strides = array<i32>} : memref<8x2x8x768xf32, #tpu.memory_space<vmem>>, vector<1x1x1x16xf32>,
        %swap3A_454 = arith.constant 1 : i32
        %swap3A_455 = arith.index_cast %rem3A_238 : i32 to index
        %swap3A_456 = arith.index_cast %swap3A_454 : i32 to index
        %swap3A_457 = arith.index_cast %scan3A_318 : i32 to index
        %swap3A_458 = arith.constant 80 : index
        %swap3A_459 = tpu.vector_load %arg6[%swap3A_455, %swap3A_456, %swap3A_457, %swap3A_458] {strides = array<i32>} : memref<8x2x8x768xf32, #tpu.memory_space<vmem>>, vector<1x1x1x16xf32>,
        %swap3A_460 = vector.shape_cast %swap3A_459 : vector<1x1x1x16xf32> to vector<16xf32>
        %swap3A_461 = vector.shape_cast %get3A_405 : vector<16xf32> to vector<1x1x1x16xf32>
        tpu.vector_store %arg6[%swap3A_455, %swap3A_456, %swap3A_457, %swap3A_458], %swap3A_461 {add = true, strides = array<i32>} : memref<8x2x8x768xf32, #tpu.memory_space<vmem>>, vector<1x1x1x16xf32>,
        %swap3A_462 = arith.constant 1 : i32
        %swap3A_463 = arith.index_cast %rem3A_238 : i32 to index
        %swap3A_464 = arith.index_cast %swap3A_462 : i32 to index
        %swap3A_465 = arith.index_cast %scan3A_318 : i32 to index
        %swap3A_466 = arith.constant 96 : index
        %swap3A_467 = tpu.vector_load %arg6[%swap3A_463, %swap3A_464, %swap3A_465, %swap3A_466] {strides = array<i32>} : memref<8x2x8x768xf32, #tpu.memory_space<vmem>>, vector<1x1x1x16xf32>,
        %swap3A_468 = vector.shape_cast %swap3A_467 : vector<1x1x1x16xf32> to vector<16xf32>
        %swap3A_469 = vector.shape_cast %get3A_409 : vector<16xf32> to vector<1x1x1x16xf32>
        tpu.vector_store %arg6[%swap3A_463, %swap3A_464, %swap3A_465, %swap3A_466], %swap3A_469 {add = true, strides = array<i32>} : memref<8x2x8x768xf32, #tpu.memory_space<vmem>>, vector<1x1x1x16xf32>,
        %swap3A_470 = arith.constant 1 : i32
        %swap3A_471 = arith.index_cast %rem3A_238 : i32 to index
        %swap3A_472 = arith.index_cast %swap3A_470 : i32 to index
        %swap3A_473 = arith.index_cast %scan3A_318 : i32 to index
        %swap3A_474 = arith.constant 112 : index
        %swap3A_475 = tpu.vector_load %arg6[%swap3A_471, %swap3A_472, %swap3A_473, %swap3A_474] {strides = array<i32>} : memref<8x2x8x768xf32, #tpu.memory_space<vmem>>, vector<1x1x1x16xf32>,
        %swap3A_476 = vector.shape_cast %swap3A_475 : vector<1x1x1x16xf32> to vector<16xf32>
        %swap3A_477 = vector.shape_cast %get3A_413 : vector<16xf32> to vector<1x1x1x16xf32>
        tpu.vector_store %arg6[%swap3A_471, %swap3A_472, %swap3A_473, %swap3A_474], %swap3A_477 {add = true, strides = array<i32>} : memref<8x2x8x768xf32, #tpu.memory_space<vmem>>, vector<1x1x1x16xf32>,
        %get3A_478 = arith.index_cast %add3A_319 : i32 to index
        %get3A_479 = arith.constant 128 : index
        %get3A_480 = tpu.vector_load %arg5[%get3A_478, %get3A_479] {strides = array<i32>} : memref<32x768xf32, #tpu.memory_space<vmem>>, vector<1x16xf32>,
        %get3A_481 = vector.shape_cast %get3A_480 : vector<1x16xf32> to vector<16xf32>
        %get3A_482 = arith.index_cast %add3A_319 : i32 to index
        %get3A_483 = arith.constant 144 : index
        %get3A_484 = tpu.vector_load %arg5[%get3A_482, %get3A_483] {strides = array<i32>} : memref<32x768xf32, #tpu.memory_space<vmem>>, vector<1x16xf32>,
        %get3A_485 = vector.shape_cast %get3A_484 : vector<1x16xf32> to vector<16xf32>
        %get3A_486 = arith.index_cast %add3A_319 : i32 to index
        %get3A_487 = arith.constant 160 : index
        %get3A_488 = tpu.vector_load %arg5[%get3A_486, %get3A_487] {strides = array<i32>} : memref<32x768xf32, #tpu.memory_space<vmem>>, vector<1x16xf32>,
        %get3A_489 = vector.shape_cast %get3A_488 : vector<1x16xf32> to vector<16xf32>
        %get3A_490 = arith.index_cast %add3A_319 : i32 to index
        %get3A_491 = arith.constant 176 : index
        %get3A_492 = tpu.vector_load %arg5[%get3A_490, %get3A_491] {strides = array<i32>} : memref<32x768xf32, #tpu.memory_space<vmem>>, vector<1x16xf32>,
        %get3A_493 = vector.shape_cast %get3A_492 : vector<1x16xf32> to vector<16xf32>
        %swap3A_494 = arith.constant 0 : i32
        %swap3A_495 = arith.index_cast %rem3A_238 : i32 to index
        %swap3A_496 = arith.index_cast %swap3A_494 : i32 to index
        %swap3A_497 = arith.index_cast %scan3A_318 : i32 to index
        %swap3A_498 = arith.constant 128 : index
        %swap3A_499 = tpu.vector_load %arg6[%swap3A_495, %swap3A_496, %swap3A_497, %swap3A_498] {strides = array<i32>} : memref<8x2x8x768xf32, #tpu.memory_space<vmem>>, vector<1x1x1x16xf32>,
        %swap3A_500 = vector.shape_cast %swap3A_499 : vector<1x1x1x16xf32> to vector<16xf32>
        %swap3A_501 = vector.shape_cast %get3A_481 : vector<16xf32> to vector<1x1x1x16xf32>
        tpu.vector_store %arg6[%swap3A_495, %swap3A_496, %swap3A_497, %swap3A_498], %swap3A_501 {add = true, strides = array<i32>} : memref<8x2x8x768xf32, #tpu.memory_space<vmem>>, vector<1x1x1x16xf32>,
        %swap3A_502 = arith.constant 0 : i32
        %swap3A_503 = arith.index_cast %rem3A_238 : i32 to index
        %swap3A_504 = arith.index_cast %swap3A_502 : i32 to index
        %swap3A_505 = arith.index_cast %scan3A_318 : i32 to index
        %swap3A_506 = arith.constant 144 : index
        %swap3A_507 = tpu.vector_load %arg6[%swap3A_503, %swap3A_504, %swap3A_505, %swap3A_506] {strides = array<i32>} : memref<8x2x8x768xf32, #tpu.memory_space<vmem>>, vector<1x1x1x16xf32>,
        %swap3A_508 = vector.shape_cast %swap3A_507 : vector<1x1x1x16xf32> to vector<16xf32>
        %swap3A_509 = vector.shape_cast %get3A_485 : vector<16xf32> to vector<1x1x1x16xf32>
        tpu.vector_store %arg6[%swap3A_503, %swap3A_504, %swap3A_505, %swap3A_506], %swap3A_509 {add = true, strides = array<i32>} : memref<8x2x8x768xf32, #tpu.memory_space<vmem>>, vector<1x1x1x16xf32>,
        %swap3A_510 = arith.constant 0 : i32
        %swap3A_511 = arith.index_cast %rem3A_238 : i32 to index
        %swap3A_512 = arith.index_cast %swap3A_510 : i32 to index
        %swap3A_513 = arith.index_cast %scan3A_318 : i32 to index
        %swap3A_514 = arith.constant 160 : index
        %swap3A_515 = tpu.vector_load %arg6[%swap3A_511, %swap3A_512, %swap3A_513, %swap3A_514] {strides = array<i32>} : memref<8x2x8x768xf32, #tpu.memory_space<vmem>>, vector<1x1x1x16xf32>,
        %swap3A_516 = vector.shape_cast %swap3A_515 : vector<1x1x1x16xf32> to vector<16xf32>
        %swap3A_517 = vector.shape_cast %get3A_489 : vector<16xf32> to vector<1x1x1x16xf32>
        tpu.vector_store %arg6[%swap3A_511, %swap3A_512, %swap3A_513, %swap3A_514], %swap3A_517 {add = true, strides = array<i32>} : memref<8x2x8x768xf32, #tpu.memory_space<vmem>>, vector<1x1x1x16xf32>,
        %swap3A_518 = arith.constant 0 : i32
        %swap3A_519 = arith.index_cast %rem3A_238 : i32 to index
        %swap3A_520 = arith.index_cast %swap3A_518 : i32 to index
        %swap3A_521 = arith.index_cast %scan3A_318 : i32 to index
        %swap3A_522 = arith.constant 176 : index
        %swap3A_523 = tpu.vector_load %arg6[%swap3A_519, %swap3A_520, %swap3A_521, %swap3A_522] {strides = array<i32>} : memref<8x2x8x768xf32, #tpu.memory_space<vmem>>, vector<1x1x1x16xf32>,
        %swap3A_524 = vector.shape_cast %swap3A_523 : vector<1x1x1x16xf32> to vector<16xf32>
        %swap3A_525 = vector.shape_cast %get3A_493 : vector<16xf32> to vector<1x1x1x16xf32>
        tpu.vector_store %arg6[%swap3A_519, %swap3A_520, %swap3A_521, %swap3A_522], %swap3A_525 {add = true, strides = array<i32>} : memref<8x2x8x768xf32, #tpu.memory_space<vmem>>, vector<1x1x1x16xf32>,
        %swap3A_526 = arith.constant 1 : i32
        %swap3A_527 = arith.index_cast %rem3A_238 : i32 to index
        %swap3A_528 = arith.index_cast %swap3A_526 : i32 to index
        %swap3A_529 = arith.index_cast %scan3A_318 : i32 to index
        %swap3A_530 = arith.constant 128 : index
        %swap3A_531 = tpu.vector_load %arg6[%swap3A_527, %swap3A_528, %swap3A_529, %swap3A_530] {strides = array<i32>} : memref<8x2x8x768xf32, #tpu.memory_space<vmem>>, vector<1x1x1x16xf32>,
        %swap3A_532 = vector.shape_cast %swap3A_531 : vector<1x1x1x16xf32> to vector<16xf32>
        %swap3A_533 = vector.shape_cast %get3A_481 : vector<16xf32> to vector<1x1x1x16xf32>
        tpu.vector_store %arg6[%swap3A_527, %swap3A_528, %swap3A_529, %swap3A_530], %swap3A_533 {add = true, strides = array<i32>} : memref<8x2x8x768xf32, #tpu.memory_space<vmem>>, vector<1x1x1x16xf32>,
        %swap3A_534 = arith.constant 1 : i32
        %swap3A_535 = arith.index_cast %rem3A_238 : i32 to index
        %swap3A_536 = arith.index_cast %swap3A_534 : i32 to index
        %swap3A_537 = arith.index_cast %scan3A_318 : i32 to index
        %swap3A_538 = arith.constant 144 : index
        %swap3A_539 = tpu.vector_load %arg6[%swap3A_535, %swap3A_536, %swap3A_537, %swap3A_538] {strides = array<i32>} : memref<8x2x8x768xf32, #tpu.memory_space<vmem>>, vector<1x1x1x16xf32>,
        %swap3A_540 = vector.shape_cast %swap3A_539 : vector<1x1x1x16xf32> to vector<16xf32>
        %swap3A_541 = vector.shape_cast %get3A_485 : vector<16xf32> to vector<1x1x1x16xf32>
        tpu.vector_store %arg6[%swap3A_535, %swap3A_536, %swap3A_537, %swap3A_538], %swap3A_541 {add = true, strides = array<i32>} : memref<8x2x8x768xf32, #tpu.memory_space<vmem>>, vector<1x1x1x16xf32>,
        %swap3A_542 = arith.constant 1 : i32
        %swap3A_543 = arith.index_cast %rem3A_238 : i32 to index
        %swap3A_544 = arith.index_cast %swap3A_542 : i32 to index
        %swap3A_545 = arith.index_cast %scan3A_318 : i32 to index
        %swap3A_546 = arith.constant 160 : index
        %swap3A_547 = tpu.vector_load %arg6[%swap3A_543, %swap3A_544, %swap3A_545, %swap3A_546] {strides = array<i32>} : memref<8x2x8x768xf32, #tpu.memory_space<vmem>>, vector<1x1x1x16xf32>,
        %swap3A_548 = vector.shape_cast %swap3A_547 : vector<1x1x1x16xf32> to vector<16xf32>
        %swap3A_549 = vector.shape_cast %get3A_489 : vector<16xf32> to vector<1x1x1x16xf32>
        tpu.vector_store %arg6[%swap3A_543, %swap3A_544, %swap3A_545, %swap3A_546], %swap3A_549 {add = true, strides = array<i32>} : memref<8x2x8x768xf32, #tpu.memory_space<vmem>>, vector<1x1x1x16xf32>,
        %swap3A_550 = arith.constant 1 : i32
        %swap3A_551 = arith.index_cast %rem3A_238 : i32 to index
        %swap3A_552 = arith.index_cast %swap3A_550 : i32 to index
        %swap3A_553 = arith.index_cast %scan3A_318 : i32 to index
        %swap3A_554 = arith.constant 176 : index
        %swap3A_555 = tpu.vector_load %arg6[%swap3A_551, %swap3A_552, %swap3A_553, %swap3A_554] {strides = array<i32>} : memref<8x2x8x768xf32, #tpu.memory_space<vmem>>, vector<1x1x1x16xf32>,
        %swap3A_556 = vector.shape_cast %swap3A_555 : vector<1x1x1x16xf32> to vector<16xf32>
        %swap3A_557 = vector.shape_cast %get3A_493 : vector<16xf32> to vector<1x1x1x16xf32>
        tpu.vector_store %arg6[%swap3A_551, %swap3A_552, %swap3A_553, %swap3A_554], %swap3A_557 {add = true, strides = array<i32>} : memref<8x2x8x768xf32, #tpu.memory_space<vmem>>, vector<1x1x1x16xf32>,
        %get3A_558 = arith.index_cast %add3A_319 : i32 to index
        %get3A_559 = arith.constant 192 : index
        %get3A_560 = tpu.vector_load %arg5[%get3A_558, %get3A_559] {strides = array<i32>} : memref<32x768xf32, #tpu.memory_space<vmem>>, vector<1x16xf32>,
        %get3A_561 = vector.shape_cast %get3A_560 : vector<1x16xf32> to vector<16xf32>
        %get3A_562 = arith.index_cast %add3A_319 : i32 to index
        %get3A_563 = arith.constant 208 : index
        %get3A_564 = tpu.vector_load %arg5[%get3A_562, %get3A_563] {strides = array<i32>} : memref<32x768xf32, #tpu.memory_space<vmem>>, vector<1x16xf32>,
        %get3A_565 = vector.shape_cast %get3A_564 : vector<1x16xf32> to vector<16xf32>
        %get3A_566 = arith.index_cast %add3A_319 : i32 to index
        %get3A_567 = arith.constant 224 : index
        %get3A_568 = tpu.vector_load %arg5[%get3A_566, %get3A_567] {strides = array<i32>} : memref<32x768xf32, #tpu.memory_space<vmem>>, vector<1x16xf32>,
        %get3A_569 = vector.shape_cast %get3A_568 : vector<1x16xf32> to vector<16xf32>
        %get3A_570 = arith.index_cast %add3A_319 : i32 to index
        %get3A_571 = arith.constant 240 : index
        %get3A_572 = tpu.vector_load %arg5[%get3A_570, %get3A_571] {strides = array<i32>} : memref<32x768xf32, #tpu.memory_space<vmem>>, vector<1x16xf32>,
        %get3A_573 = vector.shape_cast %get3A_572 : vector<1x16xf32> to vector<16xf32>
        %swap3A_574 = arith.constant 0 : i32
        %swap3A_575 = arith.index_cast %rem3A_238 : i32 to index
        %swap3A_576 = arith.index_cast %swap3A_574 : i32 to index
        %swap3A_577 = arith.index_cast %scan3A_318 : i32 to index
        %swap3A_578 = arith.constant 192 : index
        %swap3A_579 = tpu.vector_load %arg6[%swap3A_575, %swap3A_576, %swap3A_577, %swap3A_578] {strides = array<i32>} : memref<8x2x8x768xf32, #tpu.memory_space<vmem>>, vector<1x1x1x16xf32>,
        %swap3A_580 = vector.shape_cast %swap3A_579 : vector<1x1x1x16xf32> to vector<16xf32>
        %swap3A_581 = vector.shape_cast %get3A_561 : vector<16xf32> to vector<1x1x1x16xf32>
        tpu.vector_store %arg6[%swap3A_575, %swap3A_576, %swap3A_577, %swap3A_578], %swap3A_581 {add = true, strides = array<i32>} : memref<8x2x8x768xf32, #tpu.memory_space<vmem>>, vector<1x1x1x16xf32>,
        %swap3A_582 = arith.constant 0 : i32
        %swap3A_583 = arith.index_cast %rem3A_238 : i32 to index
        %swap3A_584 = arith.index_cast %swap3A_582 : i32 to index
        %swap3A_585 = arith.index_cast %scan3A_318 : i32 to index
        %swap3A_586 = arith.constant 208 : index
        %swap3A_587 = tpu.vector_load %arg6[%swap3A_583, %swap3A_584, %swap3A_585, %swap3A_586] {strides = array<i32>} : memref<8x2x8x768xf32, #tpu.memory_space<vmem>>, vector<1x1x1x16xf32>,
        %swap3A_588 = vector.shape_cast %swap3A_587 : vector<1x1x1x16xf32> to vector<16xf32>
        %swap3A_589 = vector.shape_cast %get3A_565 : vector<16xf32> to vector<1x1x1x16xf32>
        tpu.vector_store %arg6[%swap3A_583, %swap3A_584, %swap3A_585, %swap3A_586], %swap3A_589 {add = true, strides = array<i32>} : memref<8x2x8x768xf32, #tpu.memory_space<vmem>>, vector<1x1x1x16xf32>,
        %swap3A_590 = arith.constant 0 : i32
        %swap3A_591 = arith.index_cast %rem3A_238 : i32 to index
        %swap3A_592 = arith.index_cast %swap3A_590 : i32 to index
        %swap3A_593 = arith.index_cast %scan3A_318 : i32 to index
        %swap3A_594 = arith.constant 224 : index
        %swap3A_595 = tpu.vector_load %arg6[%swap3A_591, %swap3A_592, %swap3A_593, %swap3A_594] {strides = array<i32>} : memref<8x2x8x768xf32, #tpu.memory_space<vmem>>, vector<1x1x1x16xf32>,
        %swap3A_596 = vector.shape_cast %swap3A_595 : vector<1x1x1x16xf32> to vector<16xf32>
        %swap3A_597 = vector.shape_cast %get3A_569 : vector<16xf32> to vector<1x1x1x16xf32>
        tpu.vector_store %arg6[%swap3A_591, %swap3A_592, %swap3A_593, %swap3A_594], %swap3A_597 {add = true, strides = array<i32>} : memref<8x2x8x768xf32, #tpu.memory_space<vmem>>, vector<1x1x1x16xf32>,
        %swap3A_598 = arith.constant 0 : i32
        %swap3A_599 = arith.index_cast %rem3A_238 : i32 to index
        %swap3A_600 = arith.index_cast %swap3A_598 : i32 to index
        %swap3A_601 = arith.index_cast %scan3A_318 : i32 to index
        %swap3A_602 = arith.constant 240 : index
        %swap3A_603 = tpu.vector_load %arg6[%swap3A_599, %swap3A_600, %swap3A_601, %swap3A_602] {strides = array<i32>} : memref<8x2x8x768xf32, #tpu.memory_space<vmem>>, vector<1x1x1x16xf32>,
        %swap3A_604 = vector.shape_cast %swap3A_603 : vector<1x1x1x16xf32> to vector<16xf32>
        %swap3A_605 = vector.shape_cast %get3A_573 : vector<16xf32> to vector<1x1x1x16xf32>
        tpu.vector_store %arg6[%swap3A_599, %swap3A_600, %swap3A_601, %swap3A_602], %swap3A_605 {add = true, strides = array<i32>} : memref<8x2x8x768xf32, #tpu.memory_space<vmem>>, vector<1x1x1x16xf32>,
        %swap3A_606 = arith.constant 1 : i32
        %swap3A_607 = arith.index_cast %rem3A_238 : i32 to index
        %swap3A_608 = arith.index_cast %swap3A_606 : i32 to index
        %swap3A_609 = arith.index_cast %scan3A_318 : i32 to index
        %swap3A_610 = arith.constant 192 : index
        %swap3A_611 = tpu.vector_load %arg6[%swap3A_607, %swap3A_608, %swap3A_609, %swap3A_610] {strides = array<i32>} : memref<8x2x8x768xf32, #tpu.memory_space<vmem>>, vector<1x1x1x16xf32>,
        %swap3A_612 = vector.shape_cast %swap3A_611 : vector<1x1x1x16xf32> to vector<16xf32>
        %swap3A_613 = vector.shape_cast %get3A_561 : vector<16xf32> to vector<1x1x1x16xf32>
        tpu.vector_store %arg6[%swap3A_607, %swap3A_608, %swap3A_609, %swap3A_610], %swap3A_613 {add = true, strides = array<i32>} : memref<8x2x8x768xf32, #tpu.memory_space<vmem>>, vector<1x1x1x16xf32>,
        %swap3A_614 = arith.constant 1 : i32
        %swap3A_615 = arith.index_cast %rem3A_238 : i32 to index
        %swap3A_616 = arith.index_cast %swap3A_614 : i32 to index
        %swap3A_617 = arith.index_cast %scan3A_318 : i32 to index
        %swap3A_618 = arith.constant 208 : index
        %swap3A_619 = tpu.vector_load %arg6[%swap3A_615, %swap3A_616, %swap3A_617, %swap3A_618] {strides = array<i32>} : memref<8x2x8x768xf32, #tpu.memory_space<vmem>>, vector<1x1x1x16xf32>,
        %swap3A_620 = vector.shape_cast %swap3A_619 : vector<1x1x1x16xf32> to vector<16xf32>
        %swap3A_621 = vector.shape_cast %get3A_565 : vector<16xf32> to vector<1x1x1x16xf32>
        tpu.vector_store %arg6[%swap3A_615, %swap3A_616, %swap3A_617, %swap3A_618], %swap3A_621 {add = true, strides = array<i32>} : memref<8x2x8x768xf32, #tpu.memory_space<vmem>>, vector<1x1x1x16xf32>,
        %swap3A_622 = arith.constant 1 : i32
        %swap3A_623 = arith.index_cast %rem3A_238 : i32 to index
        %swap3A_624 = arith.index_cast %swap3A_622 : i32 to index
        %swap3A_625 = arith.index_cast %scan3A_318 : i32 to index
        %swap3A_626 = arith.constant 224 : index
        %swap3A_627 = tpu.vector_load %arg6[%swap3A_623, %swap3A_624, %swap3A_625, %swap3A_626] {strides = array<i32>} : memref<8x2x8x768xf32, #tpu.memory_space<vmem>>, vector<1x1x1x16xf32>,
        %swap3A_628 = vector.shape_cast %swap3A_627 : vector<1x1x1x16xf32> to vector<16xf32>
        %swap3A_629 = vector.shape_cast %get3A_569 : vector<16xf32> to vector<1x1x1x16xf32>
        tpu.vector_store %arg6[%swap3A_623, %swap3A_624, %swap3A_625, %swap3A_626], %swap3A_629 {add = true, strides = array<i32>} : memref<8x2x8x768xf32, #tpu.memory_space<vmem>>, vector<1x1x1x16xf32>,
        %swap3A_630 = arith.constant 1 : i32
        %swap3A_631 = arith.index_cast %rem3A_238 : i32 to index
        %swap3A_632 = arith.index_cast %swap3A_630 : i32 to index
        %swap3A_633 = arith.index_cast %scan3A_318 : i32 to index
        %swap3A_634 = arith.constant 240 : index
        %swap3A_635 = tpu.vector_load %arg6[%swap3A_631, %swap3A_632, %swap3A_633, %swap3A_634] {strides = array<i32>} : memref<8x2x8x768xf32, #tpu.memory_space<vmem>>, vector<1x1x1x16xf32>,
        %swap3A_636 = vector.shape_cast %swap3A_635 : vector<1x1x1x16xf32> to vector<16xf32>
        %swap3A_637 = vector.shape_cast %get3A_573 : vector<16xf32> to vector<1x1x1x16xf32>
        tpu.vector_store %arg6[%swap3A_631, %swap3A_632, %swap3A_633, %swap3A_634], %swap3A_637 {add = true, strides = array<i32>} : memref<8x2x8x768xf32, #tpu.memory_space<vmem>>, vector<1x1x1x16xf32>,
        %get3A_638 = arith.index_cast %add3A_319 : i32 to index
        %get3A_639 = arith.constant 256 : index
        %get3A_640 = tpu.vector_load %arg5[%get3A_638, %get3A_639] {strides = array<i32>} : memref<32x768xf32, #tpu.memory_space<vmem>>, vector<1x16xf32>,
        %get3A_641 = vector.shape_cast %get3A_640 : vector<1x16xf32> to vector<16xf32>
        %get3A_642 = arith.index_cast %add3A_319 : i32 to index
        %get3A_643 = arith.constant 272 : index
        %get3A_644 = tpu.vector_load %arg5[%get3A_642, %get3A_643] {strides = array<i32>} : memref<32x768xf32, #tpu.memory_space<vmem>>, vector<1x16xf32>,
        %get3A_645 = vector.shape_cast %get3A_644 : vector<1x16xf32> to vector<16xf32>
        %get3A_646 = arith.index_cast %add3A_319 : i32 to index
        %get3A_647 = arith.constant 288 : index
        %get3A_648 = tpu.vector_load %arg5[%get3A_646, %get3A_647] {strides = array<i32>} : memref<32x768xf32, #tpu.memory_space<vmem>>, vector<1x16xf32>,
        %get3A_649 = vector.shape_cast %get3A_648 : vector<1x16xf32> to vector<16xf32>
        %get3A_650 = arith.index_cast %add3A_319 : i32 to index
        %get3A_651 = arith.constant 304 : index
        %get3A_652 = tpu.vector_load %arg5[%get3A_650, %get3A_651] {strides = array<i32>} : memref<32x768xf32, #tpu.memory_space<vmem>>, vector<1x16xf32>,
        %get3A_653 = vector.shape_cast %get3A_652 : vector<1x16xf32> to vector<16xf32>
        %swap3A_654 = arith.constant 0 : i32
        %swap3A_655 = arith.index_cast %rem3A_238 : i32 to index
        %swap3A_656 = arith.index_cast %swap3A_654 : i32 to index
        %swap3A_657 = arith.index_cast %scan3A_318 : i32 to index
        %swap3A_658 = arith.constant 256 : index
        %swap3A_659 = tpu.vector_load %arg6[%swap3A_655, %swap3A_656, %swap3A_657, %swap3A_658] {strides = array<i32>} : memref<8x2x8x768xf32, #tpu.memory_space<vmem>>, vector<1x1x1x16xf32>,
        %swap3A_660 = vector.shape_cast %swap3A_659 : vector<1x1x1x16xf32> to vector<16xf32>
        %swap3A_661 = vector.shape_cast %get3A_641 : vector<16xf32> to vector<1x1x1x16xf32>
        tpu.vector_store %arg6[%swap3A_655, %swap3A_656, %swap3A_657, %swap3A_658], %swap3A_661 {add = true, strides = array<i32>} : memref<8x2x8x768xf32, #tpu.memory_space<vmem>>, vector<1x1x1x16xf32>,
        %swap3A_662 = arith.constant 0 : i32
        %swap3A_663 = arith.index_cast %rem3A_238 : i32 to index
        %swap3A_664 = arith.index_cast %swap3A_662 : i32 to index
        %swap3A_665 = arith.index_cast %scan3A_318 : i32 to index
        %swap3A_666 = arith.constant 272 : index
        %swap3A_667 = tpu.vector_load %arg6[%swap3A_663, %swap3A_664, %swap3A_665, %swap3A_666] {strides = array<i32>} : memref<8x2x8x768xf32, #tpu.memory_space<vmem>>, vector<1x1x1x16xf32>,
        %swap3A_668 = vector.shape_cast %swap3A_667 : vector<1x1x1x16xf32> to vector<16xf32>
        %swap3A_669 = vector.shape_cast %get3A_645 : vector<16xf32> to vector<1x1x1x16xf32>
        tpu.vector_store %arg6[%swap3A_663, %swap3A_664, %swap3A_665, %swap3A_666], %swap3A_669 {add = true, strides = array<i32>} : memref<8x2x8x768xf32, #tpu.memory_space<vmem>>, vector<1x1x1x16xf32>,
        %swap3A_670 = arith.constant 0 : i32
        %swap3A_671 = arith.index_cast %rem3A_238 : i32 to index
        %swap3A_672 = arith.index_cast %swap3A_670 : i32 to index
        %swap3A_673 = arith.index_cast %scan3A_318 : i32 to index
        %swap3A_674 = arith.constant 288 : index
        %swap3A_675 = tpu.vector_load %arg6[%swap3A_671, %swap3A_672, %swap3A_673, %swap3A_674] {strides = array<i32>} : memref<8x2x8x768xf32, #tpu.memory_space<vmem>>, vector<1x1x1x16xf32>,
        %swap3A_676 = vector.shape_cast %swap3A_675 : vector<1x1x1x16xf32> to vector<16xf32>
        %swap3A_677 = vector.shape_cast %get3A_649 : vector<16xf32> to vector<1x1x1x16xf32>
        tpu.vector_store %arg6[%swap3A_671, %swap3A_672, %swap3A_673, %swap3A_674], %swap3A_677 {add = true, strides = array<i32>} : memref<8x2x8x768xf32, #tpu.memory_space<vmem>>, vector<1x1x1x16xf32>,
        %swap3A_678 = arith.constant 0 : i32
        %swap3A_679 = arith.index_cast %rem3A_238 : i32 to index
        %swap3A_680 = arith.index_cast %swap3A_678 : i32 to index
        %swap3A_681 = arith.index_cast %scan3A_318 : i32 to index
        %swap3A_682 = arith.constant 304 : index
        %swap3A_683 = tpu.vector_load %arg6[%swap3A_679, %swap3A_680, %swap3A_681, %swap3A_682] {strides = array<i32>} : memref<8x2x8x768xf32, #tpu.memory_space<vmem>>, vector<1x1x1x16xf32>,
        %swap3A_684 = vector.shape_cast %swap3A_683 : vector<1x1x1x16xf32> to vector<16xf32>
        %swap3A_685 = vector.shape_cast %get3A_653 : vector<16xf32> to vector<1x1x1x16xf32>
        tpu.vector_store %arg6[%swap3A_679, %swap3A_680, %swap3A_681, %swap3A_682], %swap3A_685 {add = true, strides = array<i32>} : memref<8x2x8x768xf32, #tpu.memory_space<vmem>>, vector<1x1x1x16xf32>,
        %swap3A_686 = arith.constant 1 : i32
        %swap3A_687 = arith.index_cast %rem3A_238 : i32 to index
        %swap3A_688 = arith.index_cast %swap3A_686 : i32 to index
        %swap3A_689 = arith.index_cast %scan3A_318 : i32 to index
        %swap3A_690 = arith.constant 256 : index
        %swap3A_691 = tpu.vector_load %arg6[%swap3A_687, %swap3A_688, %swap3A_689, %swap3A_690] {strides = array<i32>} : memref<8x2x8x768xf32, #tpu.memory_space<vmem>>, vector<1x1x1x16xf32>,
        %swap3A_692 = vector.shape_cast %swap3A_691 : vector<1x1x1x16xf32> to vector<16xf32>
        %swap3A_693 = vector.shape_cast %get3A_641 : vector<16xf32> to vector<1x1x1x16xf32>
        tpu.vector_store %arg6[%swap3A_687, %swap3A_688, %swap3A_689, %swap3A_690], %swap3A_693 {add = true, strides = array<i32>} : memref<8x2x8x768xf32, #tpu.memory_space<vmem>>, vector<1x1x1x16xf32>,
        %swap3A_694 = arith.constant 1 : i32
        %swap3A_695 = arith.index_cast %rem3A_238 : i32 to index
        %swap3A_696 = arith.index_cast %swap3A_694 : i32 to index
        %swap3A_697 = arith.index_cast %scan3A_318 : i32 to index
        %swap3A_698 = arith.constant 272 : index
        %swap3A_699 = tpu.vector_load %arg6[%swap3A_695, %swap3A_696, %swap3A_697, %swap3A_698] {strides = array<i32>} : memref<8x2x8x768xf32, #tpu.memory_space<vmem>>, vector<1x1x1x16xf32>,
        %swap3A_700 = vector.shape_cast %swap3A_699 : vector<1x1x1x16xf32> to vector<16xf32>
        %swap3A_701 = vector.shape_cast %get3A_645 : vector<16xf32> to vector<1x1x1x16xf32>
        tpu.vector_store %arg6[%swap3A_695, %swap3A_696, %swap3A_697, %swap3A_698], %swap3A_701 {add = true, strides = array<i32>} : memref<8x2x8x768xf32, #tpu.memory_space<vmem>>, vector<1x1x1x16xf32>,
        %swap3A_702 = arith.constant 1 : i32
        %swap3A_703 = arith.index_cast %rem3A_238 : i32 to index
        %swap3A_704 = arith.index_cast %swap3A_702 : i32 to index
        %swap3A_705 = arith.index_cast %scan3A_318 : i32 to index
        %swap3A_706 = arith.constant 288 : index
        %swap3A_707 = tpu.vector_load %arg6[%swap3A_703, %swap3A_704, %swap3A_705, %swap3A_706] {strides = array<i32>} : memref<8x2x8x768xf32, #tpu.memory_space<vmem>>, vector<1x1x1x16xf32>,
        %swap3A_708 = vector.shape_cast %swap3A_707 : vector<1x1x1x16xf32> to vector<16xf32>
        %swap3A_709 = vector.shape_cast %get3A_649 : vector<16xf32> to vector<1x1x1x16xf32>
        tpu.vector_store %arg6[%swap3A_703, %swap3A_704, %swap3A_705, %swap3A_706], %swap3A_709 {add = true, strides = array<i32>} : memref<8x2x8x768xf32, #tpu.memory_space<vmem>>, vector<1x1x1x16xf32>,
        %swap3A_710 = arith.constant 1 : i32
        %swap3A_711 = arith.index_cast %rem3A_238 : i32 to index
        %swap3A_712 = arith.index_cast %swap3A_710 : i32 to index
        %swap3A_713 = arith.index_cast %scan3A_318 : i32 to index
        %swap3A_714 = arith.constant 304 : index
        %swap3A_715 = tpu.vector_load %arg6[%swap3A_711, %swap3A_712, %swap3A_713, %swap3A_714] {strides = array<i32>} : memref<8x2x8x768xf32, #tpu.memory_space<vmem>>, vector<1x1x1x16xf32>,
        %swap3A_716 = vector.shape_cast %swap3A_715 : vector<1x1x1x16xf32> to vector<16xf32>
        %swap3A_717 = vector.shape_cast %get3A_653 : vector<16xf32> to vector<1x1x1x16xf32>
        tpu.vector_store %arg6[%swap3A_711, %swap3A_712, %swap3A_713, %swap3A_714], %swap3A_717 {add = true, strides = array<i32>} : memref<8x2x8x768xf32, #tpu.memory_space<vmem>>, vector<1x1x1x16xf32>,
        %get3A_718 = arith.index_cast %add3A_319 : i32 to index
        %get3A_719 = arith.constant 320 : index
        %get3A_720 = tpu.vector_load %arg5[%get3A_718, %get3A_719] {strides = array<i32>} : memref<32x768xf32, #tpu.memory_space<vmem>>, vector<1x16xf32>,
        %get3A_721 = vector.shape_cast %get3A_720 : vector<1x16xf32> to vector<16xf32>
        %get3A_722 = arith.index_cast %add3A_319 : i32 to index
        %get3A_723 = arith.constant 336 : index
        %get3A_724 = tpu.vector_load %arg5[%get3A_722, %get3A_723] {strides = array<i32>} : memref<32x768xf32, #tpu.memory_space<vmem>>, vector<1x16xf32>,
        %get3A_725 = vector.shape_cast %get3A_724 : vector<1x16xf32> to vector<16xf32>
        %get3A_726 = arith.index_cast %add3A_319 : i32 to index
        %get3A_727 = arith.constant 352 : index
        %get3A_728 = tpu.vector_load %arg5[%get3A_726, %get3A_727] {strides = array<i32>} : memref<32x768xf32, #tpu.memory_space<vmem>>, vector<1x16xf32>,
        %get3A_729 = vector.shape_cast %get3A_728 : vector<1x16xf32> to vector<16xf32>
        %get3A_730 = arith.index_cast %add3A_319 : i32 to index
        %get3A_731 = arith.constant 368 : index
        %get3A_732 = tpu.vector_load %arg5[%get3A_730, %get3A_731] {strides = array<i32>} : memref<32x768xf32, #tpu.memory_space<vmem>>, vector<1x16xf32>,
        %get3A_733 = vector.shape_cast %get3A_732 : vector<1x16xf32> to vector<16xf32>
        %swap3A_734 = arith.constant 0 : i32
        %swap3A_735 = arith.index_cast %rem3A_238 : i32 to index
        %swap3A_736 = arith.index_cast %swap3A_734 : i32 to index
        %swap3A_737 = arith.index_cast %scan3A_318 : i32 to index
        %swap3A_738 = arith.constant 320 : index
        %swap3A_739 = tpu.vector_load %arg6[%swap3A_735, %swap3A_736, %swap3A_737, %swap3A_738] {strides = array<i32>} : memref<8x2x8x768xf32, #tpu.memory_space<vmem>>, vector<1x1x1x16xf32>,
        %swap3A_740 = vector.shape_cast %swap3A_739 : vector<1x1x1x16xf32> to vector<16xf32>
        %swap3A_741 = vector.shape_cast %get3A_721 : vector<16xf32> to vector<1x1x1x16xf32>
        tpu.vector_store %arg6[%swap3A_735, %swap3A_736, %swap3A_737, %swap3A_738], %swap3A_741 {add = true, strides = array<i32>} : memref<8x2x8x768xf32, #tpu.memory_space<vmem>>, vector<1x1x1x16xf32>,
        %swap3A_742 = arith.constant 0 : i32
        %swap3A_743 = arith.index_cast %rem3A_238 : i32 to index
        %swap3A_744 = arith.index_cast %swap3A_742 : i32 to index
        %swap3A_745 = arith.index_cast %scan3A_318 : i32 to index
        %swap3A_746 = arith.constant 336 : index
        %swap3A_747 = tpu.vector_load %arg6[%swap3A_743, %swap3A_744, %swap3A_745, %swap3A_746] {strides = array<i32>} : memref<8x2x8x768xf32, #tpu.memory_space<vmem>>, vector<1x1x1x16xf32>,
        %swap3A_748 = vector.shape_cast %swap3A_747 : vector<1x1x1x16xf32> to vector<16xf32>
        %swap3A_749 = vector.shape_cast %get3A_725 : vector<16xf32> to vector<1x1x1x16xf32>
        tpu.vector_store %arg6[%swap3A_743, %swap3A_744, %swap3A_745, %swap3A_746], %swap3A_749 {add = true, strides = array<i32>} : memref<8x2x8x768xf32, #tpu.memory_space<vmem>>, vector<1x1x1x16xf32>,
        %swap3A_750 = arith.constant 0 : i32
        %swap3A_751 = arith.index_cast %rem3A_238 : i32 to index
        %swap3A_752 = arith.index_cast %swap3A_750 : i32 to index
        %swap3A_753 = arith.index_cast %scan3A_318 : i32 to index
        %swap3A_754 = arith.constant 352 : index
        %swap3A_755 = tpu.vector_load %arg6[%swap3A_751, %swap3A_752, %swap3A_753, %swap3A_754] {strides = array<i32>} : memref<8x2x8x768xf32, #tpu.memory_space<vmem>>, vector<1x1x1x16xf32>,
        %swap3A_756 = vector.shape_cast %swap3A_755 : vector<1x1x1x16xf32> to vector<16xf32>
        %swap3A_757 = vector.shape_cast %get3A_729 : vector<16xf32> to vector<1x1x1x16xf32>
        tpu.vector_store %arg6[%swap3A_751, %swap3A_752, %swap3A_753, %swap3A_754], %swap3A_757 {add = true, strides = array<i32>} : memref<8x2x8x768xf32, #tpu.memory_space<vmem>>, vector<1x1x1x16xf32>,
        %swap3A_758 = arith.constant 0 : i32
        %swap3A_759 = arith.index_cast %rem3A_238 : i32 to index
        %swap3A_760 = arith.index_cast %swap3A_758 : i32 to index
        %swap3A_761 = arith.index_cast %scan3A_318 : i32 to index
        %swap3A_762 = arith.constant 368 : index
        %swap3A_763 = tpu.vector_load %arg6[%swap3A_759, %swap3A_760, %swap3A_761, %swap3A_762] {strides = array<i32>} : memref<8x2x8x768xf32, #tpu.memory_space<vmem>>, vector<1x1x1x16xf32>,
        %swap3A_764 = vector.shape_cast %swap3A_763 : vector<1x1x1x16xf32> to vector<16xf32>
        %swap3A_765 = vector.shape_cast %get3A_733 : vector<16xf32> to vector<1x1x1x16xf32>
        tpu.vector_store %arg6[%swap3A_759, %swap3A_760, %swap3A_761, %swap3A_762], %swap3A_765 {add = true, strides = array<i32>} : memref<8x2x8x768xf32, #tpu.memory_space<vmem>>, vector<1x1x1x16xf32>,
        %swap3A_766 = arith.constant 1 : i32
        %swap3A_767 = arith.index_cast %rem3A_238 : i32 to index
        %swap3A_768 = arith.index_cast %swap3A_766 : i32 to index
        %swap3A_769 = arith.index_cast %scan3A_318 : i32 to index
        %swap3A_770 = arith.constant 320 : index
        %swap3A_771 = tpu.vector_load %arg6[%swap3A_767, %swap3A_768, %swap3A_769, %swap3A_770] {strides = array<i32>} : memref<8x2x8x768xf32, #tpu.memory_space<vmem>>, vector<1x1x1x16xf32>,
        %swap3A_772 = vector.shape_cast %swap3A_771 : vector<1x1x1x16xf32> to vector<16xf32>
        %swap3A_773 = vector.shape_cast %get3A_721 : vector<16xf32> to vector<1x1x1x16xf32>
        tpu.vector_store %arg6[%swap3A_767, %swap3A_768, %swap3A_769, %swap3A_770], %swap3A_773 {add = true, strides = array<i32>} : memref<8x2x8x768xf32, #tpu.memory_space<vmem>>, vector<1x1x1x16xf32>,
        %swap3A_774 = arith.constant 1 : i32
        %swap3A_775 = arith.index_cast %rem3A_238 : i32 to index
        %swap3A_776 = arith.index_cast %swap3A_774 : i32 to index
        %swap3A_777 = arith.index_cast %scan3A_318 : i32 to index
        %swap3A_778 = arith.constant 336 : index
        %swap3A_779 = tpu.vector_load %arg6[%swap3A_775, %swap3A_776, %swap3A_777, %swap3A_778] {strides = array<i32>} : memref<8x2x8x768xf32, #tpu.memory_space<vmem>>, vector<1x1x1x16xf32>,
        %swap3A_780 = vector.shape_cast %swap3A_779 : vector<1x1x1x16xf32> to vector<16xf32>
        %swap3A_781 = vector.shape_cast %get3A_725 : vector<16xf32> to vector<1x1x1x16xf32>
        tpu.vector_store %arg6[%swap3A_775, %swap3A_776, %swap3A_777, %swap3A_778], %swap3A_781 {add = true, strides = array<i32>} : memref<8x2x8x768xf32, #tpu.memory_space<vmem>>, vector<1x1x1x16xf32>,
        %swap3A_782 = arith.constant 1 : i32
        %swap3A_783 = arith.index_cast %rem3A_238 : i32 to index
        %swap3A_784 = arith.index_cast %swap3A_782 : i32 to index
        %swap3A_785 = arith.index_cast %scan3A_318 : i32 to index
        %swap3A_786 = arith.constant 352 : index
        %swap3A_787 = tpu.vector_load %arg6[%swap3A_783, %swap3A_784, %swap3A_785, %swap3A_786] {strides = array<i32>} : memref<8x2x8x768xf32, #tpu.memory_space<vmem>>, vector<1x1x1x16xf32>,
        %swap3A_788 = vector.shape_cast %swap3A_787 : vector<1x1x1x16xf32> to vector<16xf32>
        %swap3A_789 = vector.shape_cast %get3A_729 : vector<16xf32> to vector<1x1x1x16xf32>
        tpu.vector_store %arg6[%swap3A_783, %swap3A_784, %swap3A_785, %swap3A_786], %swap3A_789 {add = true, strides = array<i32>} : memref<8x2x8x768xf32, #tpu.memory_space<vmem>>, vector<1x1x1x16xf32>,
        %swap3A_790 = arith.constant 1 : i32
        %swap3A_791 = arith.index_cast %rem3A_238 : i32 to index
        %swap3A_792 = arith.index_cast %swap3A_790 : i32 to index
        %swap3A_793 = arith.index_cast %scan3A_318 : i32 to index
        %swap3A_794 = arith.constant 368 : index
        %swap3A_795 = tpu.vector_load %arg6[%swap3A_791, %swap3A_792, %swap3A_793, %swap3A_794] {strides = array<i32>} : memref<8x2x8x768xf32, #tpu.memory_space<vmem>>, vector<1x1x1x16xf32>,
        %swap3A_796 = vector.shape_cast %swap3A_795 : vector<1x1x1x16xf32> to vector<16xf32>
        %swap3A_797 = vector.shape_cast %get3A_733 : vector<16xf32> to vector<1x1x1x16xf32>
        tpu.vector_store %arg6[%swap3A_791, %swap3A_792, %swap3A_793, %swap3A_794], %swap3A_797 {add = true, strides = array<i32>} : memref<8x2x8x768xf32, #tpu.memory_space<vmem>>, vector<1x1x1x16xf32>,
        %get3A_798 = arith.index_cast %add3A_319 : i32 to index
        %get3A_799 = arith.constant 384 : index
        %get3A_800 = tpu.vector_load %arg5[%get3A_798, %get3A_799] {strides = array<i32>} : memref<32x768xf32, #tpu.memory_space<vmem>>, vector<1x16xf32>,
        %get3A_801 = vector.shape_cast %get3A_800 : vector<1x16xf32> to vector<16xf32>
        %get3A_802 = arith.index_cast %add3A_319 : i32 to index
        %get3A_803 = arith.constant 400 : index
        %get3A_804 = tpu.vector_load %arg5[%get3A_802, %get3A_803] {strides = array<i32>} : memref<32x768xf32, #tpu.memory_space<vmem>>, vector<1x16xf32>,
        %get3A_805 = vector.shape_cast %get3A_804 : vector<1x16xf32> to vector<16xf32>
        %get3A_806 = arith.index_cast %add3A_319 : i32 to index
        %get3A_807 = arith.constant 416 : index
        %get3A_808 = tpu.vector_load %arg5[%get3A_806, %get3A_807] {strides = array<i32>} : memref<32x768xf32, #tpu.memory_space<vmem>>, vector<1x16xf32>,
        %get3A_809 = vector.shape_cast %get3A_808 : vector<1x16xf32> to vector<16xf32>
        %get3A_810 = arith.index_cast %add3A_319 : i32 to index
        %get3A_811 = arith.constant 432 : index
        %get3A_812 = tpu.vector_load %arg5[%get3A_810, %get3A_811] {strides = array<i32>} : memref<32x768xf32, #tpu.memory_space<vmem>>, vector<1x16xf32>,
        %get3A_813 = vector.shape_cast %get3A_812 : vector<1x16xf32> to vector<16xf32>
        %swap3A_814 = arith.constant 0 : i32
        %swap3A_815 = arith.index_cast %rem3A_238 : i32 to index
        %swap3A_816 = arith.index_cast %swap3A_814 : i32 to index
        %swap3A_817 = arith.index_cast %scan3A_318 : i32 to index
        %swap3A_818 = arith.constant 384 : index
        %swap3A_819 = tpu.vector_load %arg6[%swap3A_815, %swap3A_816, %swap3A_817, %swap3A_818] {strides = array<i32>} : memref<8x2x8x768xf32, #tpu.memory_space<vmem>>, vector<1x1x1x16xf32>,
        %swap3A_820 = vector.shape_cast %swap3A_819 : vector<1x1x1x16xf32> to vector<16xf32>
        %swap3A_821 = vector.shape_cast %get3A_801 : vector<16xf32> to vector<1x1x1x16xf32>
        tpu.vector_store %arg6[%swap3A_815, %swap3A_816, %swap3A_817, %swap3A_818], %swap3A_821 {add = true, strides = array<i32>} : memref<8x2x8x768xf32, #tpu.memory_space<vmem>>, vector<1x1x1x16xf32>,
        %swap3A_822 = arith.constant 0 : i32
        %swap3A_823 = arith.index_cast %rem3A_238 : i32 to index
        %swap3A_824 = arith.index_cast %swap3A_822 : i32 to index
        %swap3A_825 = arith.index_cast %scan3A_318 : i32 to index
        %swap3A_826 = arith.constant 400 : index
        %swap3A_827 = tpu.vector_load %arg6[%swap3A_823, %swap3A_824, %swap3A_825, %swap3A_826] {strides = array<i32>} : memref<8x2x8x768xf32, #tpu.memory_space<vmem>>, vector<1x1x1x16xf32>,
        %swap3A_828 = vector.shape_cast %swap3A_827 : vector<1x1x1x16xf32> to vector<16xf32>
        %swap3A_829 = vector.shape_cast %get3A_805 : vector<16xf32> to vector<1x1x1x16xf32>
        tpu.vector_store %arg6[%swap3A_823, %swap3A_824, %swap3A_825, %swap3A_826], %swap3A_829 {add = true, strides = array<i32>} : memref<8x2x8x768xf32, #tpu.memory_space<vmem>>, vector<1x1x1x16xf32>,
        %swap3A_830 = arith.constant 0 : i32
        %swap3A_831 = arith.index_cast %rem3A_238 : i32 to index
        %swap3A_832 = arith.index_cast %swap3A_830 : i32 to index
        %swap3A_833 = arith.index_cast %scan3A_318 : i32 to index
        %swap3A_834 = arith.constant 416 : index
        %swap3A_835 = tpu.vector_load %arg6[%swap3A_831, %swap3A_832, %swap3A_833, %swap3A_834] {strides = array<i32>} : memref<8x2x8x768xf32, #tpu.memory_space<vmem>>, vector<1x1x1x16xf32>,
        %swap3A_836 = vector.shape_cast %swap3A_835 : vector<1x1x1x16xf32> to vector<16xf32>
        %swap3A_837 = vector.shape_cast %get3A_809 : vector<16xf32> to vector<1x1x1x16xf32>
        tpu.vector_store %arg6[%swap3A_831, %swap3A_832, %swap3A_833, %swap3A_834], %swap3A_837 {add = true, strides = array<i32>} : memref<8x2x8x768xf32, #tpu.memory_space<vmem>>, vector<1x1x1x16xf32>,
        %swap3A_838 = arith.constant 0 : i32
        %swap3A_839 = arith.index_cast %rem3A_238 : i32 to index
        %swap3A_840 = arith.index_cast %swap3A_838 : i32 to index
        %swap3A_841 = arith.index_cast %scan3A_318 : i32 to index
        %swap3A_842 = arith.constant 432 : index
        %swap3A_843 = tpu.vector_load %arg6[%swap3A_839, %swap3A_840, %swap3A_841, %swap3A_842] {strides = array<i32>} : memref<8x2x8x768xf32, #tpu.memory_space<vmem>>, vector<1x1x1x16xf32>,
        %swap3A_844 = vector.shape_cast %swap3A_843 : vector<1x1x1x16xf32> to vector<16xf32>
        %swap3A_845 = vector.shape_cast %get3A_813 : vector<16xf32> to vector<1x1x1x16xf32>
        tpu.vector_store %arg6[%swap3A_839, %swap3A_840, %swap3A_841, %swap3A_842], %swap3A_845 {add = true, strides = array<i32>} : memref<8x2x8x768xf32, #tpu.memory_space<vmem>>, vector<1x1x1x16xf32>,
        %swap3A_846 = arith.constant 1 : i32
        %swap3A_847 = arith.index_cast %rem3A_238 : i32 to index
        %swap3A_848 = arith.index_cast %swap3A_846 : i32 to index
        %swap3A_849 = arith.index_cast %scan3A_318 : i32 to index
        %swap3A_850 = arith.constant 384 : index
        %swap3A_851 = tpu.vector_load %arg6[%swap3A_847, %swap3A_848, %swap3A_849, %swap3A_850] {strides = array<i32>} : memref<8x2x8x768xf32, #tpu.memory_space<vmem>>, vector<1x1x1x16xf32>,
        %swap3A_852 = vector.shape_cast %swap3A_851 : vector<1x1x1x16xf32> to vector<16xf32>
        %swap3A_853 = vector.shape_cast %get3A_801 : vector<16xf32> to vector<1x1x1x16xf32>
        tpu.vector_store %arg6[%swap3A_847, %swap3A_848, %swap3A_849, %swap3A_850], %swap3A_853 {add = true, strides = array<i32>} : memref<8x2x8x768xf32, #tpu.memory_space<vmem>>, vector<1x1x1x16xf32>,
        %swap3A_854 = arith.constant 1 : i32
        %swap3A_855 = arith.index_cast %rem3A_238 : i32 to index
        %swap3A_856 = arith.index_cast %swap3A_854 : i32 to index
        %swap3A_857 = arith.index_cast %scan3A_318 : i32 to index
        %swap3A_858 = arith.constant 400 : index
        %swap3A_859 = tpu.vector_load %arg6[%swap3A_855, %swap3A_856, %swap3A_857, %swap3A_858] {strides = array<i32>} : memref<8x2x8x768xf32, #tpu.memory_space<vmem>>, vector<1x1x1x16xf32>,
        %swap3A_860 = vector.shape_cast %swap3A_859 : vector<1x1x1x16xf32> to vector<16xf32>
        %swap3A_861 = vector.shape_cast %get3A_805 : vector<16xf32> to vector<1x1x1x16xf32>
        tpu.vector_store %arg6[%swap3A_855, %swap3A_856, %swap3A_857, %swap3A_858], %swap3A_861 {add = true, strides = array<i32>} : memref<8x2x8x768xf32, #tpu.memory_space<vmem>>, vector<1x1x1x16xf32>,
        %swap3A_862 = arith.constant 1 : i32
        %swap3A_863 = arith.index_cast %rem3A_238 : i32 to index
        %swap3A_864 = arith.index_cast %swap3A_862 : i32 to index
        %swap3A_865 = arith.index_cast %scan3A_318 : i32 to index
        %swap3A_866 = arith.constant 416 : index
        %swap3A_867 = tpu.vector_load %arg6[%swap3A_863, %swap3A_864, %swap3A_865, %swap3A_866] {strides = array<i32>} : memref<8x2x8x768xf32, #tpu.memory_space<vmem>>, vector<1x1x1x16xf32>,
        %swap3A_868 = vector.shape_cast %swap3A_867 : vector<1x1x1x16xf32> to vector<16xf32>
        %swap3A_869 = vector.shape_cast %get3A_809 : vector<16xf32> to vector<1x1x1x16xf32>
        tpu.vector_store %arg6[%swap3A_863, %swap3A_864, %swap3A_865, %swap3A_866], %swap3A_869 {add = true, strides = array<i32>} : memref<8x2x8x768xf32, #tpu.memory_space<vmem>>, vector<1x1x1x16xf32>,
        %swap3A_870 = arith.constant 1 : i32
        %swap3A_871 = arith.index_cast %rem3A_238 : i32 to index
        %swap3A_872 = arith.index_cast %swap3A_870 : i32 to index
        %swap3A_873 = arith.index_cast %scan3A_318 : i32 to index
        %swap3A_874 = arith.constant 432 : index
        %swap3A_875 = tpu.vector_load %arg6[%swap3A_871, %swap3A_872, %swap3A_873, %swap3A_874] {strides = array<i32>} : memref<8x2x8x768xf32, #tpu.memory_space<vmem>>, vector<1x1x1x16xf32>,
        %swap3A_876 = vector.shape_cast %swap3A_875 : vector<1x1x1x16xf32> to vector<16xf32>
        %swap3A_877 = vector.shape_cast %get3A_813 : vector<16xf32> to vector<1x1x1x16xf32>
        tpu.vector_store %arg6[%swap3A_871, %swap3A_872, %swap3A_873, %swap3A_874], %swap3A_877 {add = true, strides = array<i32>} : memref<8x2x8x768xf32, #tpu.memory_space<vmem>>, vector<1x1x1x16xf32>,
        %get3A_878 = arith.index_cast %add3A_319 : i32 to index
        %get3A_879 = arith.constant 448 : index
        %get3A_880 = tpu.vector_load %arg5[%get3A_878, %get3A_879] {strides = array<i32>} : memref<32x768xf32, #tpu.memory_space<vmem>>, vector<1x16xf32>,
        %get3A_881 = vector.shape_cast %get3A_880 : vector<1x16xf32> to vector<16xf32>
        %get3A_882 = arith.index_cast %add3A_319 : i32 to index
        %get3A_883 = arith.constant 464 : index
        %get3A_884 = tpu.vector_load %arg5[%get3A_882, %get3A_883] {strides = array<i32>} : memref<32x768xf32, #tpu.memory_space<vmem>>, vector<1x16xf32>,
        %get3A_885 = vector.shape_cast %get3A_884 : vector<1x16xf32> to vector<16xf32>
        %get3A_886 = arith.index_cast %add3A_319 : i32 to index
        %get3A_887 = arith.constant 480 : index
        %get3A_888 = tpu.vector_load %arg5[%get3A_886, %get3A_887] {strides = array<i32>} : memref<32x768xf32, #tpu.memory_space<vmem>>, vector<1x16xf32>,
        %get3A_889 = vector.shape_cast %get3A_888 : vector<1x16xf32> to vector<16xf32>
        %get3A_890 = arith.index_cast %add3A_319 : i32 to index
        %get3A_891 = arith.constant 496 : index
        %get3A_892 = tpu.vector_load %arg5[%get3A_890, %get3A_891] {strides = array<i32>} : memref<32x768xf32, #tpu.memory_space<vmem>>, vector<1x16xf32>,
        %get3A_893 = vector.shape_cast %get3A_892 : vector<1x16xf32> to vector<16xf32>
        %swap3A_894 = arith.constant 0 : i32
        %swap3A_895 = arith.index_cast %rem3A_238 : i32 to index
        %swap3A_896 = arith.index_cast %swap3A_894 : i32 to index
        %swap3A_897 = arith.index_cast %scan3A_318 : i32 to index
        %swap3A_898 = arith.constant 448 : index
        %swap3A_899 = tpu.vector_load %arg6[%swap3A_895, %swap3A_896, %swap3A_897, %swap3A_898] {strides = array<i32>} : memref<8x2x8x768xf32, #tpu.memory_space<vmem>>, vector<1x1x1x16xf32>,
        %swap3A_900 = vector.shape_cast %swap3A_899 : vector<1x1x1x16xf32> to vector<16xf32>
        %swap3A_901 = vector.shape_cast %get3A_881 : vector<16xf32> to vector<1x1x1x16xf32>
        tpu.vector_store %arg6[%swap3A_895, %swap3A_896, %swap3A_897, %swap3A_898], %swap3A_901 {add = true, strides = array<i32>} : memref<8x2x8x768xf32, #tpu.memory_space<vmem>>, vector<1x1x1x16xf32>,
        %swap3A_902 = arith.constant 0 : i32
        %swap3A_903 = arith.index_cast %rem3A_238 : i32 to index
        %swap3A_904 = arith.index_cast %swap3A_902 : i32 to index
        %swap3A_905 = arith.index_cast %scan3A_318 : i32 to index
        %swap3A_906 = arith.constant 464 : index
        %swap3A_907 = tpu.vector_load %arg6[%swap3A_903, %swap3A_904, %swap3A_905, %swap3A_906] {strides = array<i32>} : memref<8x2x8x768xf32, #tpu.memory_space<vmem>>, vector<1x1x1x16xf32>,
        %swap3A_908 = vector.shape_cast %swap3A_907 : vector<1x1x1x16xf32> to vector<16xf32>
        %swap3A_909 = vector.shape_cast %get3A_885 : vector<16xf32> to vector<1x1x1x16xf32>
        tpu.vector_store %arg6[%swap3A_903, %swap3A_904, %swap3A_905, %swap3A_906], %swap3A_909 {add = true, strides = array<i32>} : memref<8x2x8x768xf32, #tpu.memory_space<vmem>>, vector<1x1x1x16xf32>,
        %swap3A_910 = arith.constant 0 : i32
        %swap3A_911 = arith.index_cast %rem3A_238 : i32 to index
        %swap3A_912 = arith.index_cast %swap3A_910 : i32 to index
        %swap3A_913 = arith.index_cast %scan3A_318 : i32 to index
        %swap3A_914 = arith.constant 480 : index
        %swap3A_915 = tpu.vector_load %arg6[%swap3A_911, %swap3A_912, %swap3A_913, %swap3A_914] {strides = array<i32>} : memref<8x2x8x768xf32, #tpu.memory_space<vmem>>, vector<1x1x1x16xf32>,
        %swap3A_916 = vector.shape_cast %swap3A_915 : vector<1x1x1x16xf32> to vector<16xf32>
        %swap3A_917 = vector.shape_cast %get3A_889 : vector<16xf32> to vector<1x1x1x16xf32>
        tpu.vector_store %arg6[%swap3A_911, %swap3A_912, %swap3A_913, %swap3A_914], %swap3A_917 {add = true, strides = array<i32>} : memref<8x2x8x768xf32, #tpu.memory_space<vmem>>, vector<1x1x1x16xf32>,
        %swap3A_918 = arith.constant 0 : i32
        %swap3A_919 = arith.index_cast %rem3A_238 : i32 to index
        %swap3A_920 = arith.index_cast %swap3A_918 : i32 to index
        %swap3A_921 = arith.index_cast %scan3A_318 : i32 to index
        %swap3A_922 = arith.constant 496 : index
        %swap3A_923 = tpu.vector_load %arg6[%swap3A_919, %swap3A_920, %swap3A_921, %swap3A_922] {strides = array<i32>} : memref<8x2x8x768xf32, #tpu.memory_space<vmem>>, vector<1x1x1x16xf32>,
        %swap3A_924 = vector.shape_cast %swap3A_923 : vector<1x1x1x16xf32> to vector<16xf32>
        %swap3A_925 = vector.shape_cast %get3A_893 : vector<16xf32> to vector<1x1x1x16xf32>
        tpu.vector_store %arg6[%swap3A_919, %swap3A_920, %swap3A_921, %swap3A_922], %swap3A_925 {add = true, strides = array<i32>} : memref<8x2x8x768xf32, #tpu.memory_space<vmem>>, vector<1x1x1x16xf32>,
        %swap3A_926 = arith.constant 1 : i32
        %swap3A_927 = arith.index_cast %rem3A_238 : i32 to index
        %swap3A_928 = arith.index_cast %swap3A_926 : i32 to index
        %swap3A_929 = arith.index_cast %scan3A_318 : i32 to index
        %swap3A_930 = arith.constant 448 : index
        %swap3A_931 = tpu.vector_load %arg6[%swap3A_927, %swap3A_928, %swap3A_929, %swap3A_930] {strides = array<i32>} : memref<8x2x8x768xf32, #tpu.memory_space<vmem>>, vector<1x1x1x16xf32>,
        %swap3A_932 = vector.shape_cast %swap3A_931 : vector<1x1x1x16xf32> to vector<16xf32>
        %swap3A_933 = vector.shape_cast %get3A_881 : vector<16xf32> to vector<1x1x1x16xf32>
        tpu.vector_store %arg6[%swap3A_927, %swap3A_928, %swap3A_929, %swap3A_930], %swap3A_933 {add = true, strides = array<i32>} : memref<8x2x8x768xf32, #tpu.memory_space<vmem>>, vector<1x1x1x16xf32>,
        %swap3A_934 = arith.constant 1 : i32
        %swap3A_935 = arith.index_cast %rem3A_238 : i32 to index
        %swap3A_936 = arith.index_cast %swap3A_934 : i32 to index
        %swap3A_937 = arith.index_cast %scan3A_318 : i32 to index
        %swap3A_938 = arith.constant 464 : index
        %swap3A_939 = tpu.vector_load %arg6[%swap3A_935, %swap3A_936, %swap3A_937, %swap3A_938] {strides = array<i32>} : memref<8x2x8x768xf32, #tpu.memory_space<vmem>>, vector<1x1x1x16xf32>,
        %swap3A_940 = vector.shape_cast %swap3A_939 : vector<1x1x1x16xf32> to vector<16xf32>
        %swap3A_941 = vector.shape_cast %get3A_885 : vector<16xf32> to vector<1x1x1x16xf32>
        tpu.vector_store %arg6[%swap3A_935, %swap3A_936, %swap3A_937, %swap3A_938], %swap3A_941 {add = true, strides = array<i32>} : memref<8x2x8x768xf32, #tpu.memory_space<vmem>>, vector<1x1x1x16xf32>,
        %swap3A_942 = arith.constant 1 : i32
        %swap3A_943 = arith.index_cast %rem3A_238 : i32 to index
        %swap3A_944 = arith.index_cast %swap3A_942 : i32 to index
        %swap3A_945 = arith.index_cast %scan3A_318 : i32 to index
        %swap3A_946 = arith.constant 480 : index
        %swap3A_947 = tpu.vector_load %arg6[%swap3A_943, %swap3A_944, %swap3A_945, %swap3A_946] {strides = array<i32>} : memref<8x2x8x768xf32, #tpu.memory_space<vmem>>, vector<1x1x1x16xf32>,
        %swap3A_948 = vector.shape_cast %swap3A_947 : vector<1x1x1x16xf32> to vector<16xf32>
        %swap3A_949 = vector.shape_cast %get3A_889 : vector<16xf32> to vector<1x1x1x16xf32>
        tpu.vector_store %arg6[%swap3A_943, %swap3A_944, %swap3A_945, %swap3A_946], %swap3A_949 {add = true, strides = array<i32>} : memref<8x2x8x768xf32, #tpu.memory_space<vmem>>, vector<1x1x1x16xf32>,
        %swap3A_950 = arith.constant 1 : i32
        %swap3A_951 = arith.index_cast %rem3A_238 : i32 to index
        %swap3A_952 = arith.index_cast %swap3A_950 : i32 to index
        %swap3A_953 = arith.index_cast %scan3A_318 : i32 to index
        %swap3A_954 = arith.constant 496 : index
        %swap3A_955 = tpu.vector_load %arg6[%swap3A_951, %swap3A_952, %swap3A_953, %swap3A_954] {strides = array<i32>} : memref<8x2x8x768xf32, #tpu.memory_space<vmem>>, vector<1x1x1x16xf32>,
        %swap3A_956 = vector.shape_cast %swap3A_955 : vector<1x1x1x16xf32> to vector<16xf32>
        %swap3A_957 = vector.shape_cast %get3A_893 : vector<16xf32> to vector<1x1x1x16xf32>
        tpu.vector_store %arg6[%swap3A_951, %swap3A_952, %swap3A_953, %swap3A_954], %swap3A_957 {add = true, strides = array<i32>} : memref<8x2x8x768xf32, #tpu.memory_space<vmem>>, vector<1x1x1x16xf32>,
        %get3A_958 = arith.index_cast %add3A_319 : i32 to index
        %get3A_959 = arith.constant 512 : index
        %get3A_960 = tpu.vector_load %arg5[%get3A_958, %get3A_959] {strides = array<i32>} : memref<32x768xf32, #tpu.memory_space<vmem>>, vector<1x16xf32>,
        %get3A_961 = vector.shape_cast %get3A_960 : vector<1x16xf32> to vector<16xf32>
        %get3A_962 = arith.index_cast %add3A_319 : i32 to index
        %get3A_963 = arith.constant 528 : index
        %get3A_964 = tpu.vector_load %arg5[%get3A_962, %get3A_963] {strides = array<i32>} : memref<32x768xf32, #tpu.memory_space<vmem>>, vector<1x16xf32>,
        %get3A_965 = vector.shape_cast %get3A_964 : vector<1x16xf32> to vector<16xf32>
        %get3A_966 = arith.index_cast %add3A_319 : i32 to index
        %get3A_967 = arith.constant 544 : index
        %get3A_968 = tpu.vector_load %arg5[%get3A_966, %get3A_967] {strides = array<i32>} : memref<32x768xf32, #tpu.memory_space<vmem>>, vector<1x16xf32>,
        %get3A_969 = vector.shape_cast %get3A_968 : vector<1x16xf32> to vector<16xf32>
        %get3A_970 = arith.index_cast %add3A_319 : i32 to index
        %get3A_971 = arith.constant 560 : index
        %get3A_972 = tpu.vector_load %arg5[%get3A_970, %get3A_971] {strides = array<i32>} : memref<32x768xf32, #tpu.memory_space<vmem>>, vector<1x16xf32>,
        %get3A_973 = vector.shape_cast %get3A_972 : vector<1x16xf32> to vector<16xf32>
        %swap3A_974 = arith.constant 0 : i32
        %swap3A_975 = arith.index_cast %rem3A_238 : i32 to index
        %swap3A_976 = arith.index_cast %swap3A_974 : i32 to index
        %swap3A_977 = arith.index_cast %scan3A_318 : i32 to index
        %swap3A_978 = arith.constant 512 : index
        %swap3A_979 = tpu.vector_load %arg6[%swap3A_975, %swap3A_976, %swap3A_977, %swap3A_978] {strides = array<i32>} : memref<8x2x8x768xf32, #tpu.memory_space<vmem>>, vector<1x1x1x16xf32>,
        %swap3A_980 = vector.shape_cast %swap3A_979 : vector<1x1x1x16xf32> to vector<16xf32>
        %swap3A_981 = vector.shape_cast %get3A_961 : vector<16xf32> to vector<1x1x1x16xf32>
        tpu.vector_store %arg6[%swap3A_975, %swap3A_976, %swap3A_977, %swap3A_978], %swap3A_981 {add = true, strides = array<i32>} : memref<8x2x8x768xf32, #tpu.memory_space<vmem>>, vector<1x1x1x16xf32>,
        %swap3A_982 = arith.constant 0 : i32
        %swap3A_983 = arith.index_cast %rem3A_238 : i32 to index
        %swap3A_984 = arith.index_cast %swap3A_982 : i32 to index
        %swap3A_985 = arith.index_cast %scan3A_318 : i32 to index
        %swap3A_986 = arith.constant 528 : index
        %swap3A_987 = tpu.vector_load %arg6[%swap3A_983, %swap3A_984, %swap3A_985, %swap3A_986] {strides = array<i32>} : memref<8x2x8x768xf32, #tpu.memory_space<vmem>>, vector<1x1x1x16xf32>,
        %swap3A_988 = vector.shape_cast %swap3A_987 : vector<1x1x1x16xf32> to vector<16xf32>
        %swap3A_989 = vector.shape_cast %get3A_965 : vector<16xf32> to vector<1x1x1x16xf32>
        tpu.vector_store %arg6[%swap3A_983, %swap3A_984, %swap3A_985, %swap3A_986], %swap3A_989 {add = true, strides = array<i32>} : memref<8x2x8x768xf32, #tpu.memory_space<vmem>>, vector<1x1x1x16xf32>,
        %swap3A_990 = arith.constant 0 : i32
        %swap3A_991 = arith.index_cast %rem3A_238 : i32 to index
        %swap3A_992 = arith.index_cast %swap3A_990 : i32 to index
        %swap3A_993 = arith.index_cast %scan3A_318 : i32 to index
        %swap3A_994 = arith.constant 544 : index
        %swap3A_995 = tpu.vector_load %arg6[%swap3A_991, %swap3A_992, %swap3A_993, %swap3A_994] {strides = array<i32>} : memref<8x2x8x768xf32, #tpu.memory_space<vmem>>, vector<1x1x1x16xf32>,
        %swap3A_996 = vector.shape_cast %swap3A_995 : vector<1x1x1x16xf32> to vector<16xf32>
        %swap3A_997 = vector.shape_cast %get3A_969 : vector<16xf32> to vector<1x1x1x16xf32>
        tpu.vector_store %arg6[%swap3A_991, %swap3A_992, %swap3A_993, %swap3A_994], %swap3A_997 {add = true, strides = array<i32>} : memref<8x2x8x768xf32, #tpu.memory_space<vmem>>, vector<1x1x1x16xf32>,
        %swap3A_998 = arith.constant 0 : i32
        %swap3A_999 = arith.index_cast %rem3A_238 : i32 to index
        %swap3A_1000 = arith.index_cast %swap3A_998 : i32 to index
        %swap3A_1001 = arith.index_cast %scan3A_318 : i32 to index
        %swap3A_1002 = arith.constant 560 : index
        %swap3A_1003 = tpu.vector_load %arg6[%swap3A_999, %swap3A_1000, %swap3A_1001, %swap3A_1002] {strides = array<i32>} : memref<8x2x8x768xf32, #tpu.memory_space<vmem>>, vector<1x1x1x16xf32>,
        %swap3A_1004 = vector.shape_cast %swap3A_1003 : vector<1x1x1x16xf32> to vector<16xf32>
        %swap3A_1005 = vector.shape_cast %get3A_973 : vector<16xf32> to vector<1x1x1x16xf32>
        tpu.vector_store %arg6[%swap3A_999, %swap3A_1000, %swap3A_1001, %swap3A_1002], %swap3A_1005 {add = true, strides = array<i32>} : memref<8x2x8x768xf32, #tpu.memory_space<vmem>>, vector<1x1x1x16xf32>,
        %swap3A_1006 = arith.constant 1 : i32
        %swap3A_1007 = arith.index_cast %rem3A_238 : i32 to index
        %swap3A_1008 = arith.index_cast %swap3A_1006 : i32 to index
        %swap3A_1009 = arith.index_cast %scan3A_318 : i32 to index
        %swap3A_1010 = arith.constant 512 : index
        %swap3A_1011 = tpu.vector_load %arg6[%swap3A_1007, %swap3A_1008, %swap3A_1009, %swap3A_1010] {strides = array<i32>} : memref<8x2x8x768xf32, #tpu.memory_space<vmem>>, vector<1x1x1x16xf32>,
        %swap3A_1012 = vector.shape_cast %swap3A_1011 : vector<1x1x1x16xf32> to vector<16xf32>
        %swap3A_1013 = vector.shape_cast %get3A_961 : vector<16xf32> to vector<1x1x1x16xf32>
        tpu.vector_store %arg6[%swap3A_1007, %swap3A_1008, %swap3A_1009, %swap3A_1010], %swap3A_1013 {add = true, strides = array<i32>} : memref<8x2x8x768xf32, #tpu.memory_space<vmem>>, vector<1x1x1x16xf32>,
        %swap3A_1014 = arith.constant 1 : i32
        %swap3A_1015 = arith.index_cast %rem3A_238 : i32 to index
        %swap3A_1016 = arith.index_cast %swap3A_1014 : i32 to index
        %swap3A_1017 = arith.index_cast %scan3A_318 : i32 to index
        %swap3A_1018 = arith.constant 528 : index
        %swap3A_1019 = tpu.vector_load %arg6[%swap3A_1015, %swap3A_1016, %swap3A_1017, %swap3A_1018] {strides = array<i32>} : memref<8x2x8x768xf32, #tpu.memory_space<vmem>>, vector<1x1x1x16xf32>,
        %swap3A_1020 = vector.shape_cast %swap3A_1019 : vector<1x1x1x16xf32> to vector<16xf32>
        %swap3A_1021 = vector.shape_cast %get3A_965 : vector<16xf32> to vector<1x1x1x16xf32>
        tpu.vector_store %arg6[%swap3A_1015, %swap3A_1016, %swap3A_1017, %swap3A_1018], %swap3A_1021 {add = true, strides = array<i32>} : memref<8x2x8x768xf32, #tpu.memory_space<vmem>>, vector<1x1x1x16xf32>,
        %swap3A_1022 = arith.constant 1 : i32
        %swap3A_1023 = arith.index_cast %rem3A_238 : i32 to index
        %swap3A_1024 = arith.index_cast %swap3A_1022 : i32 to index
        %swap3A_1025 = arith.index_cast %scan3A_318 : i32 to index
        %swap3A_1026 = arith.constant 544 : index
        %swap3A_1027 = tpu.vector_load %arg6[%swap3A_1023, %swap3A_1024, %swap3A_1025, %swap3A_1026] {strides = array<i32>} : memref<8x2x8x768xf32, #tpu.memory_space<vmem>>, vector<1x1x1x16xf32>,
        %swap3A_1028 = vector.shape_cast %swap3A_1027 : vector<1x1x1x16xf32> to vector<16xf32>
        %swap3A_1029 = vector.shape_cast %get3A_969 : vector<16xf32> to vector<1x1x1x16xf32>
        tpu.vector_store %arg6[%swap3A_1023, %swap3A_1024, %swap3A_1025, %swap3A_1026], %swap3A_1029 {add = true, strides = array<i32>} : memref<8x2x8x768xf32, #tpu.memory_space<vmem>>, vector<1x1x1x16xf32>,
        %swap3A_1030 = arith.constant 1 : i32
        %swap3A_1031 = arith.index_cast %rem3A_238 : i32 to index
        %swap3A_1032 = arith.index_cast %swap3A_1030 : i32 to index
        %swap3A_1033 = arith.index_cast %scan3A_318 : i32 to index
        %swap3A_1034 = arith.constant 560 : index
        %swap3A_1035 = tpu.vector_load %arg6[%swap3A_1031, %swap3A_1032, %swap3A_1033, %swap3A_1034] {strides = array<i32>} : memref<8x2x8x768xf32, #tpu.memory_space<vmem>>, vector<1x1x1x16xf32>,
        %swap3A_1036 = vector.shape_cast %swap3A_1035 : vector<1x1x1x16xf32> to vector<16xf32>
        %swap3A_1037 = vector.shape_cast %get3A_973 : vector<16xf32> to vector<1x1x1x16xf32>
        tpu.vector_store %arg6[%swap3A_1031, %swap3A_1032, %swap3A_1033, %swap3A_1034], %swap3A_1037 {add = true, strides = array<i32>} : memref<8x2x8x768xf32, #tpu.memory_space<vmem>>, vector<1x1x1x16xf32>,
        %get3A_1038 = arith.index_cast %add3A_319 : i32 to index
        %get3A_1039 = arith.constant 576 : index
        %get3A_1040 = tpu.vector_load %arg5[%get3A_1038, %get3A_1039] {strides = array<i32>} : memref<32x768xf32, #tpu.memory_space<vmem>>, vector<1x16xf32>,
        %get3A_1041 = vector.shape_cast %get3A_1040 : vector<1x16xf32> to vector<16xf32>
        %get3A_1042 = arith.index_cast %add3A_319 : i32 to index
        %get3A_1043 = arith.constant 592 : index
        %get3A_1044 = tpu.vector_load %arg5[%get3A_1042, %get3A_1043] {strides = array<i32>} : memref<32x768xf32, #tpu.memory_space<vmem>>, vector<1x16xf32>,
        %get3A_1045 = vector.shape_cast %get3A_1044 : vector<1x16xf32> to vector<16xf32>
        %get3A_1046 = arith.index_cast %add3A_319 : i32 to index
        %get3A_1047 = arith.constant 608 : index
        %get3A_1048 = tpu.vector_load %arg5[%get3A_1046, %get3A_1047] {strides = array<i32>} : memref<32x768xf32, #tpu.memory_space<vmem>>, vector<1x16xf32>,
        %get3A_1049 = vector.shape_cast %get3A_1048 : vector<1x16xf32> to vector<16xf32>
        %get3A_1050 = arith.index_cast %add3A_319 : i32 to index
        %get3A_1051 = arith.constant 624 : index
        %get3A_1052 = tpu.vector_load %arg5[%get3A_1050, %get3A_1051] {strides = array<i32>} : memref<32x768xf32, #tpu.memory_space<vmem>>, vector<1x16xf32>,
        %get3A_1053 = vector.shape_cast %get3A_1052 : vector<1x16xf32> to vector<16xf32>
        %swap3A_1054 = arith.constant 0 : i32
        %swap3A_1055 = arith.index_cast %rem3A_238 : i32 to index
        %swap3A_1056 = arith.index_cast %swap3A_1054 : i32 to index
        %swap3A_1057 = arith.index_cast %scan3A_318 : i32 to index
        %swap3A_1058 = arith.constant 576 : index
        %swap3A_1059 = tpu.vector_load %arg6[%swap3A_1055, %swap3A_1056, %swap3A_1057, %swap3A_1058] {strides = array<i32>} : memref<8x2x8x768xf32, #tpu.memory_space<vmem>>, vector<1x1x1x16xf32>,
        %swap3A_1060 = vector.shape_cast %swap3A_1059 : vector<1x1x1x16xf32> to vector<16xf32>
        %swap3A_1061 = vector.shape_cast %get3A_1041 : vector<16xf32> to vector<1x1x1x16xf32>
        tpu.vector_store %arg6[%swap3A_1055, %swap3A_1056, %swap3A_1057, %swap3A_1058], %swap3A_1061 {add = true, strides = array<i32>} : memref<8x2x8x768xf32, #tpu.memory_space<vmem>>, vector<1x1x1x16xf32>,
        %swap3A_1062 = arith.constant 0 : i32
        %swap3A_1063 = arith.index_cast %rem3A_238 : i32 to index
        %swap3A_1064 = arith.index_cast %swap3A_1062 : i32 to index
        %swap3A_1065 = arith.index_cast %scan3A_318 : i32 to index
        %swap3A_1066 = arith.constant 592 : index
        %swap3A_1067 = tpu.vector_load %arg6[%swap3A_1063, %swap3A_1064, %swap3A_1065, %swap3A_1066] {strides = array<i32>} : memref<8x2x8x768xf32, #tpu.memory_space<vmem>>, vector<1x1x1x16xf32>,
        %swap3A_1068 = vector.shape_cast %swap3A_1067 : vector<1x1x1x16xf32> to vector<16xf32>
        %swap3A_1069 = vector.shape_cast %get3A_1045 : vector<16xf32> to vector<1x1x1x16xf32>
        tpu.vector_store %arg6[%swap3A_1063, %swap3A_1064, %swap3A_1065, %swap3A_1066], %swap3A_1069 {add = true, strides = array<i32>} : memref<8x2x8x768xf32, #tpu.memory_space<vmem>>, vector<1x1x1x16xf32>,
        %swap3A_1070 = arith.constant 0 : i32
        %swap3A_1071 = arith.index_cast %rem3A_238 : i32 to index
        %swap3A_1072 = arith.index_cast %swap3A_1070 : i32 to index
        %swap3A_1073 = arith.index_cast %scan3A_318 : i32 to index
        %swap3A_1074 = arith.constant 608 : index
        %swap3A_1075 = tpu.vector_load %arg6[%swap3A_1071, %swap3A_1072, %swap3A_1073, %swap3A_1074] {strides = array<i32>} : memref<8x2x8x768xf32, #tpu.memory_space<vmem>>, vector<1x1x1x16xf32>,
        %swap3A_1076 = vector.shape_cast %swap3A_1075 : vector<1x1x1x16xf32> to vector<16xf32>
        %swap3A_1077 = vector.shape_cast %get3A_1049 : vector<16xf32> to vector<1x1x1x16xf32>
        tpu.vector_store %arg6[%swap3A_1071, %swap3A_1072, %swap3A_1073, %swap3A_1074], %swap3A_1077 {add = true, strides = array<i32>} : memref<8x2x8x768xf32, #tpu.memory_space<vmem>>, vector<1x1x1x16xf32>,
        %swap3A_1078 = arith.constant 0 : i32
        %swap3A_1079 = arith.index_cast %rem3A_238 : i32 to index
        %swap3A_1080 = arith.index_cast %swap3A_1078 : i32 to index
        %swap3A_1081 = arith.index_cast %scan3A_318 : i32 to index
        %swap3A_1082 = arith.constant 624 : index
        %swap3A_1083 = tpu.vector_load %arg6[%swap3A_1079, %swap3A_1080, %swap3A_1081, %swap3A_1082] {strides = array<i32>} : memref<8x2x8x768xf32, #tpu.memory_space<vmem>>, vector<1x1x1x16xf32>,
        %swap3A_1084 = vector.shape_cast %swap3A_1083 : vector<1x1x1x16xf32> to vector<16xf32>
        %swap3A_1085 = vector.shape_cast %get3A_1053 : vector<16xf32> to vector<1x1x1x16xf32>
        tpu.vector_store %arg6[%swap3A_1079, %swap3A_1080, %swap3A_1081, %swap3A_1082], %swap3A_1085 {add = true, strides = array<i32>} : memref<8x2x8x768xf32, #tpu.memory_space<vmem>>, vector<1x1x1x16xf32>,
        %swap3A_1086 = arith.constant 1 : i32
        %swap3A_1087 = arith.index_cast %rem3A_238 : i32 to index
        %swap3A_1088 = arith.index_cast %swap3A_1086 : i32 to index
        %swap3A_1089 = arith.index_cast %scan3A_318 : i32 to index
        %swap3A_1090 = arith.constant 576 : index
        %swap3A_1091 = tpu.vector_load %arg6[%swap3A_1087, %swap3A_1088, %swap3A_1089, %swap3A_1090] {strides = array<i32>} : memref<8x2x8x768xf32, #tpu.memory_space<vmem>>, vector<1x1x1x16xf32>,
        %swap3A_1092 = vector.shape_cast %swap3A_1091 : vector<1x1x1x16xf32> to vector<16xf32>
        %swap3A_1093 = vector.shape_cast %get3A_1041 : vector<16xf32> to vector<1x1x1x16xf32>
        tpu.vector_store %arg6[%swap3A_1087, %swap3A_1088, %swap3A_1089, %swap3A_1090], %swap3A_1093 {add = true, strides = array<i32>} : memref<8x2x8x768xf32, #tpu.memory_space<vmem>>, vector<1x1x1x16xf32>,
        %swap3A_1094 = arith.constant 1 : i32
        %swap3A_1095 = arith.index_cast %rem3A_238 : i32 to index
        %swap3A_1096 = arith.index_cast %swap3A_1094 : i32 to index
        %swap3A_1097 = arith.index_cast %scan3A_318 : i32 to index
        %swap3A_1098 = arith.constant 592 : index
        %swap3A_1099 = tpu.vector_load %arg6[%swap3A_1095, %swap3A_1096, %swap3A_1097, %swap3A_1098] {strides = array<i32>} : memref<8x2x8x768xf32, #tpu.memory_space<vmem>>, vector<1x1x1x16xf32>,
        %swap3A_1100 = vector.shape_cast %swap3A_1099 : vector<1x1x1x16xf32> to vector<16xf32>
        %swap3A_1101 = vector.shape_cast %get3A_1045 : vector<16xf32> to vector<1x1x1x16xf32>
        tpu.vector_store %arg6[%swap3A_1095, %swap3A_1096, %swap3A_1097, %swap3A_1098], %swap3A_1101 {add = true, strides = array<i32>} : memref<8x2x8x768xf32, #tpu.memory_space<vmem>>, vector<1x1x1x16xf32>,
        %swap3A_1102 = arith.constant 1 : i32
        %swap3A_1103 = arith.index_cast %rem3A_238 : i32 to index
        %swap3A_1104 = arith.index_cast %swap3A_1102 : i32 to index
        %swap3A_1105 = arith.index_cast %scan3A_318 : i32 to index
        %swap3A_1106 = arith.constant 608 : index
        %swap3A_1107 = tpu.vector_load %arg6[%swap3A_1103, %swap3A_1104, %swap3A_1105, %swap3A_1106] {strides = array<i32>} : memref<8x2x8x768xf32, #tpu.memory_space<vmem>>, vector<1x1x1x16xf32>,
        %swap3A_1108 = vector.shape_cast %swap3A_1107 : vector<1x1x1x16xf32> to vector<16xf32>
        %swap3A_1109 = vector.shape_cast %get3A_1049 : vector<16xf32> to vector<1x1x1x16xf32>
        tpu.vector_store %arg6[%swap3A_1103, %swap3A_1104, %swap3A_1105, %swap3A_1106], %swap3A_1109 {add = true, strides = array<i32>} : memref<8x2x8x768xf32, #tpu.memory_space<vmem>>, vector<1x1x1x16xf32>,
        %swap3A_1110 = arith.constant 1 : i32
        %swap3A_1111 = arith.index_cast %rem3A_238 : i32 to index
        %swap3A_1112 = arith.index_cast %swap3A_1110 : i32 to index
        %swap3A_1113 = arith.index_cast %scan3A_318 : i32 to index
        %swap3A_1114 = arith.constant 624 : index
        %swap3A_1115 = tpu.vector_load %arg6[%swap3A_1111, %swap3A_1112, %swap3A_1113, %swap3A_1114] {strides = array<i32>} : memref<8x2x8x768xf32, #tpu.memory_space<vmem>>, vector<1x1x1x16xf32>,
        %swap3A_1116 = vector.shape_cast %swap3A_1115 : vector<1x1x1x16xf32> to vector<16xf32>
        %swap3A_1117 = vector.shape_cast %get3A_1053 : vector<16xf32> to vector<1x1x1x16xf32>
        tpu.vector_store %arg6[%swap3A_1111, %swap3A_1112, %swap3A_1113, %swap3A_1114], %swap3A_1117 {add = true, strides = array<i32>} : memref<8x2x8x768xf32, #tpu.memory_space<vmem>>, vector<1x1x1x16xf32>,
        %get3A_1118 = arith.index_cast %add3A_319 : i32 to index
        %get3A_1119 = arith.constant 640 : index
        %get3A_1120 = tpu.vector_load %arg5[%get3A_1118, %get3A_1119] {strides = array<i32>} : memref<32x768xf32, #tpu.memory_space<vmem>>, vector<1x16xf32>,
        %get3A_1121 = vector.shape_cast %get3A_1120 : vector<1x16xf32> to vector<16xf32>
        %get3A_1122 = arith.index_cast %add3A_319 : i32 to index
        %get3A_1123 = arith.constant 656 : index
        %get3A_1124 = tpu.vector_load %arg5[%get3A_1122, %get3A_1123] {strides = array<i32>} : memref<32x768xf32, #tpu.memory_space<vmem>>, vector<1x16xf32>,
        %get3A_1125 = vector.shape_cast %get3A_1124 : vector<1x16xf32> to vector<16xf32>
        %get3A_1126 = arith.index_cast %add3A_319 : i32 to index
        %get3A_1127 = arith.constant 672 : index
        %get3A_1128 = tpu.vector_load %arg5[%get3A_1126, %get3A_1127] {strides = array<i32>} : memref<32x768xf32, #tpu.memory_space<vmem>>, vector<1x16xf32>,
        %get3A_1129 = vector.shape_cast %get3A_1128 : vector<1x16xf32> to vector<16xf32>
        %get3A_1130 = arith.index_cast %add3A_319 : i32 to index
        %get3A_1131 = arith.constant 688 : index
        %get3A_1132 = tpu.vector_load %arg5[%get3A_1130, %get3A_1131] {strides = array<i32>} : memref<32x768xf32, #tpu.memory_space<vmem>>, vector<1x16xf32>,
        %get3A_1133 = vector.shape_cast %get3A_1132 : vector<1x16xf32> to vector<16xf32>
        %swap3A_1134 = arith.constant 0 : i32
        %swap3A_1135 = arith.index_cast %rem3A_238 : i32 to index
        %swap3A_1136 = arith.index_cast %swap3A_1134 : i32 to index
        %swap3A_1137 = arith.index_cast %scan3A_318 : i32 to index
        %swap3A_1138 = arith.constant 640 : index
        %swap3A_1139 = tpu.vector_load %arg6[%swap3A_1135, %swap3A_1136, %swap3A_1137, %swap3A_1138] {strides = array<i32>} : memref<8x2x8x768xf32, #tpu.memory_space<vmem>>, vector<1x1x1x16xf32>,
        %swap3A_1140 = vector.shape_cast %swap3A_1139 : vector<1x1x1x16xf32> to vector<16xf32>
        %swap3A_1141 = vector.shape_cast %get3A_1121 : vector<16xf32> to vector<1x1x1x16xf32>
        tpu.vector_store %arg6[%swap3A_1135, %swap3A_1136, %swap3A_1137, %swap3A_1138], %swap3A_1141 {add = true, strides = array<i32>} : memref<8x2x8x768xf32, #tpu.memory_space<vmem>>, vector<1x1x1x16xf32>,
        %swap3A_1142 = arith.constant 0 : i32
        %swap3A_1143 = arith.index_cast %rem3A_238 : i32 to index
        %swap3A_1144 = arith.index_cast %swap3A_1142 : i32 to index
        %swap3A_1145 = arith.index_cast %scan3A_318 : i32 to index
        %swap3A_1146 = arith.constant 656 : index
        %swap3A_1147 = tpu.vector_load %arg6[%swap3A_1143, %swap3A_1144, %swap3A_1145, %swap3A_1146] {strides = array<i32>} : memref<8x2x8x768xf32, #tpu.memory_space<vmem>>, vector<1x1x1x16xf32>,
        %swap3A_1148 = vector.shape_cast %swap3A_1147 : vector<1x1x1x16xf32> to vector<16xf32>
        %swap3A_1149 = vector.shape_cast %get3A_1125 : vector<16xf32> to vector<1x1x1x16xf32>
        tpu.vector_store %arg6[%swap3A_1143, %swap3A_1144, %swap3A_1145, %swap3A_1146], %swap3A_1149 {add = true, strides = array<i32>} : memref<8x2x8x768xf32, #tpu.memory_space<vmem>>, vector<1x1x1x16xf32>,
        %swap3A_1150 = arith.constant 0 : i32
        %swap3A_1151 = arith.index_cast %rem3A_238 : i32 to index
        %swap3A_1152 = arith.index_cast %swap3A_1150 : i32 to index
        %swap3A_1153 = arith.index_cast %scan3A_318 : i32 to index
        %swap3A_1154 = arith.constant 672 : index
        %swap3A_1155 = tpu.vector_load %arg6[%swap3A_1151, %swap3A_1152, %swap3A_1153, %swap3A_1154] {strides = array<i32>} : memref<8x2x8x768xf32, #tpu.memory_space<vmem>>, vector<1x1x1x16xf32>,
        %swap3A_1156 = vector.shape_cast %swap3A_1155 : vector<1x1x1x16xf32> to vector<16xf32>
        %swap3A_1157 = vector.shape_cast %get3A_1129 : vector<16xf32> to vector<1x1x1x16xf32>
        tpu.vector_store %arg6[%swap3A_1151, %swap3A_1152, %swap3A_1153, %swap3A_1154], %swap3A_1157 {add = true, strides = array<i32>} : memref<8x2x8x768xf32, #tpu.memory_space<vmem>>, vector<1x1x1x16xf32>,
        %swap3A_1158 = arith.constant 0 : i32
        %swap3A_1159 = arith.index_cast %rem3A_238 : i32 to index
        %swap3A_1160 = arith.index_cast %swap3A_1158 : i32 to index
        %swap3A_1161 = arith.index_cast %scan3A_318 : i32 to index
        %swap3A_1162 = arith.constant 688 : index
        %swap3A_1163 = tpu.vector_load %arg6[%swap3A_1159, %swap3A_1160, %swap3A_1161, %swap3A_1162] {strides = array<i32>} : memref<8x2x8x768xf32, #tpu.memory_space<vmem>>, vector<1x1x1x16xf32>,
        %swap3A_1164 = vector.shape_cast %swap3A_1163 : vector<1x1x1x16xf32> to vector<16xf32>
        %swap3A_1165 = vector.shape_cast %get3A_1133 : vector<16xf32> to vector<1x1x1x16xf32>
        tpu.vector_store %arg6[%swap3A_1159, %swap3A_1160, %swap3A_1161, %swap3A_1162], %swap3A_1165 {add = true, strides = array<i32>} : memref<8x2x8x768xf32, #tpu.memory_space<vmem>>, vector<1x1x1x16xf32>,
        %swap3A_1166 = arith.constant 1 : i32
        %swap3A_1167 = arith.index_cast %rem3A_238 : i32 to index
        %swap3A_1168 = arith.index_cast %swap3A_1166 : i32 to index
        %swap3A_1169 = arith.index_cast %scan3A_318 : i32 to index
        %swap3A_1170 = arith.constant 640 : index
        %swap3A_1171 = tpu.vector_load %arg6[%swap3A_1167, %swap3A_1168, %swap3A_1169, %swap3A_1170] {strides = array<i32>} : memref<8x2x8x768xf32, #tpu.memory_space<vmem>>, vector<1x1x1x16xf32>,
        %swap3A_1172 = vector.shape_cast %swap3A_1171 : vector<1x1x1x16xf32> to vector<16xf32>
        %swap3A_1173 = vector.shape_cast %get3A_1121 : vector<16xf32> to vector<1x1x1x16xf32>
        tpu.vector_store %arg6[%swap3A_1167, %swap3A_1168, %swap3A_1169, %swap3A_1170], %swap3A_1173 {add = true, strides = array<i32>} : memref<8x2x8x768xf32, #tpu.memory_space<vmem>>, vector<1x1x1x16xf32>,
        %swap3A_1174 = arith.constant 1 : i32
        %swap3A_1175 = arith.index_cast %rem3A_238 : i32 to index
        %swap3A_1176 = arith.index_cast %swap3A_1174 : i32 to index
        %swap3A_1177 = arith.index_cast %scan3A_318 : i32 to index
        %swap3A_1178 = arith.constant 656 : index
        %swap3A_1179 = tpu.vector_load %arg6[%swap3A_1175, %swap3A_1176, %swap3A_1177, %swap3A_1178] {strides = array<i32>} : memref<8x2x8x768xf32, #tpu.memory_space<vmem>>, vector<1x1x1x16xf32>,
        %swap3A_1180 = vector.shape_cast %swap3A_1179 : vector<1x1x1x16xf32> to vector<16xf32>
        %swap3A_1181 = vector.shape_cast %get3A_1125 : vector<16xf32> to vector<1x1x1x16xf32>
        tpu.vector_store %arg6[%swap3A_1175, %swap3A_1176, %swap3A_1177, %swap3A_1178], %swap3A_1181 {add = true, strides = array<i32>} : memref<8x2x8x768xf32, #tpu.memory_space<vmem>>, vector<1x1x1x16xf32>,
        %swap3A_1182 = arith.constant 1 : i32
        %swap3A_1183 = arith.index_cast %rem3A_238 : i32 to index
        %swap3A_1184 = arith.index_cast %swap3A_1182 : i32 to index
        %swap3A_1185 = arith.index_cast %scan3A_318 : i32 to index
        %swap3A_1186 = arith.constant 672 : index
        %swap3A_1187 = tpu.vector_load %arg6[%swap3A_1183, %swap3A_1184, %swap3A_1185, %swap3A_1186] {strides = array<i32>} : memref<8x2x8x768xf32, #tpu.memory_space<vmem>>, vector<1x1x1x16xf32>,
        %swap3A_1188 = vector.shape_cast %swap3A_1187 : vector<1x1x1x16xf32> to vector<16xf32>
        %swap3A_1189 = vector.shape_cast %get3A_1129 : vector<16xf32> to vector<1x1x1x16xf32>
        tpu.vector_store %arg6[%swap3A_1183, %swap3A_1184, %swap3A_1185, %swap3A_1186], %swap3A_1189 {add = true, strides = array<i32>} : memref<8x2x8x768xf32, #tpu.memory_space<vmem>>, vector<1x1x1x16xf32>,
        %swap3A_1190 = arith.constant 1 : i32
        %swap3A_1191 = arith.index_cast %rem3A_238 : i32 to index
        %swap3A_1192 = arith.index_cast %swap3A_1190 : i32 to index
        %swap3A_1193 = arith.index_cast %scan3A_318 : i32 to index
        %swap3A_1194 = arith.constant 688 : index
        %swap3A_1195 = tpu.vector_load %arg6[%swap3A_1191, %swap3A_1192, %swap3A_1193, %swap3A_1194] {strides = array<i32>} : memref<8x2x8x768xf32, #tpu.memory_space<vmem>>, vector<1x1x1x16xf32>,
        %swap3A_1196 = vector.shape_cast %swap3A_1195 : vector<1x1x1x16xf32> to vector<16xf32>
        %swap3A_1197 = vector.shape_cast %get3A_1133 : vector<16xf32> to vector<1x1x1x16xf32>
        tpu.vector_store %arg6[%swap3A_1191, %swap3A_1192, %swap3A_1193, %swap3A_1194], %swap3A_1197 {add = true, strides = array<i32>} : memref<8x2x8x768xf32, #tpu.memory_space<vmem>>, vector<1x1x1x16xf32>,
        %get3A_1198 = arith.index_cast %add3A_319 : i32 to index
        %get3A_1199 = arith.constant 704 : index
        %get3A_1200 = tpu.vector_load %arg5[%get3A_1198, %get3A_1199] {strides = array<i32>} : memref<32x768xf32, #tpu.memory_space<vmem>>, vector<1x16xf32>,
        %get3A_1201 = vector.shape_cast %get3A_1200 : vector<1x16xf32> to vector<16xf32>
        %get3A_1202 = arith.index_cast %add3A_319 : i32 to index
        %get3A_1203 = arith.constant 720 : index
        %get3A_1204 = tpu.vector_load %arg5[%get3A_1202, %get3A_1203] {strides = array<i32>} : memref<32x768xf32, #tpu.memory_space<vmem>>, vector<1x16xf32>,
        %get3A_1205 = vector.shape_cast %get3A_1204 : vector<1x16xf32> to vector<16xf32>
        %get3A_1206 = arith.index_cast %add3A_319 : i32 to index
        %get3A_1207 = arith.constant 736 : index
        %get3A_1208 = tpu.vector_load %arg5[%get3A_1206, %get3A_1207] {strides = array<i32>} : memref<32x768xf32, #tpu.memory_space<vmem>>, vector<1x16xf32>,
        %get3A_1209 = vector.shape_cast %get3A_1208 : vector<1x16xf32> to vector<16xf32>
        %get3A_1210 = arith.index_cast %add3A_319 : i32 to index
        %get3A_1211 = arith.constant 752 : index
        %get3A_1212 = tpu.vector_load %arg5[%get3A_1210, %get3A_1211] {strides = array<i32>} : memref<32x768xf32, #tpu.memory_space<vmem>>, vector<1x16xf32>,
        %get3A_1213 = vector.shape_cast %get3A_1212 : vector<1x16xf32> to vector<16xf32>
        %swap3A_1214 = arith.constant 0 : i32
        %swap3A_1215 = arith.index_cast %rem3A_238 : i32 to index
        %swap3A_1216 = arith.index_cast %swap3A_1214 : i32 to index
        %swap3A_1217 = arith.index_cast %scan3A_318 : i32 to index
        %swap3A_1218 = arith.constant 704 : index
        %swap3A_1219 = tpu.vector_load %arg6[%swap3A_1215, %swap3A_1216, %swap3A_1217, %swap3A_1218] {strides = array<i32>} : memref<8x2x8x768xf32, #tpu.memory_space<vmem>>, vector<1x1x1x16xf32>,
        %swap3A_1220 = vector.shape_cast %swap3A_1219 : vector<1x1x1x16xf32> to vector<16xf32>
        %swap3A_1221 = vector.shape_cast %get3A_1201 : vector<16xf32> to vector<1x1x1x16xf32>
        tpu.vector_store %arg6[%swap3A_1215, %swap3A_1216, %swap3A_1217, %swap3A_1218], %swap3A_1221 {add = true, strides = array<i32>} : memref<8x2x8x768xf32, #tpu.memory_space<vmem>>, vector<1x1x1x16xf32>,
        %swap3A_1222 = arith.constant 0 : i32
        %swap3A_1223 = arith.index_cast %rem3A_238 : i32 to index
        %swap3A_1224 = arith.index_cast %swap3A_1222 : i32 to index
        %swap3A_1225 = arith.index_cast %scan3A_318 : i32 to index
        %swap3A_1226 = arith.constant 720 : index
        %swap3A_1227 = tpu.vector_load %arg6[%swap3A_1223, %swap3A_1224, %swap3A_1225, %swap3A_1226] {strides = array<i32>} : memref<8x2x8x768xf32, #tpu.memory_space<vmem>>, vector<1x1x1x16xf32>,
        %swap3A_1228 = vector.shape_cast %swap3A_1227 : vector<1x1x1x16xf32> to vector<16xf32>
        %swap3A_1229 = vector.shape_cast %get3A_1205 : vector<16xf32> to vector<1x1x1x16xf32>
        tpu.vector_store %arg6[%swap3A_1223, %swap3A_1224, %swap3A_1225, %swap3A_1226], %swap3A_1229 {add = true, strides = array<i32>} : memref<8x2x8x768xf32, #tpu.memory_space<vmem>>, vector<1x1x1x16xf32>,
        %swap3A_1230 = arith.constant 0 : i32
        %swap3A_1231 = arith.index_cast %rem3A_238 : i32 to index
        %swap3A_1232 = arith.index_cast %swap3A_1230 : i32 to index
        %swap3A_1233 = arith.index_cast %scan3A_318 : i32 to index
        %swap3A_1234 = arith.constant 736 : index
        %swap3A_1235 = tpu.vector_load %arg6[%swap3A_1231, %swap3A_1232, %swap3A_1233, %swap3A_1234] {strides = array<i32>} : memref<8x2x8x768xf32, #tpu.memory_space<vmem>>, vector<1x1x1x16xf32>,
        %swap3A_1236 = vector.shape_cast %swap3A_1235 : vector<1x1x1x16xf32> to vector<16xf32>
        %swap3A_1237 = vector.shape_cast %get3A_1209 : vector<16xf32> to vector<1x1x1x16xf32>
        tpu.vector_store %arg6[%swap3A_1231, %swap3A_1232, %swap3A_1233, %swap3A_1234], %swap3A_1237 {add = true, strides = array<i32>} : memref<8x2x8x768xf32, #tpu.memory_space<vmem>>, vector<1x1x1x16xf32>,
        %swap3A_1238 = arith.constant 0 : i32
        %swap3A_1239 = arith.index_cast %rem3A_238 : i32 to index
        %swap3A_1240 = arith.index_cast %swap3A_1238 : i32 to index
        %swap3A_1241 = arith.index_cast %scan3A_318 : i32 to index
        %swap3A_1242 = arith.constant 752 : index
        %swap3A_1243 = tpu.vector_load %arg6[%swap3A_1239, %swap3A_1240, %swap3A_1241, %swap3A_1242] {strides = array<i32>} : memref<8x2x8x768xf32, #tpu.memory_space<vmem>>, vector<1x1x1x16xf32>,
        %swap3A_1244 = vector.shape_cast %swap3A_1243 : vector<1x1x1x16xf32> to vector<16xf32>
        %swap3A_1245 = vector.shape_cast %get3A_1213 : vector<16xf32> to vector<1x1x1x16xf32>
        tpu.vector_store %arg6[%swap3A_1239, %swap3A_1240, %swap3A_1241, %swap3A_1242], %swap3A_1245 {add = true, strides = array<i32>} : memref<8x2x8x768xf32, #tpu.memory_space<vmem>>, vector<1x1x1x16xf32>,
        %swap3A_1246 = arith.constant 1 : i32
        %swap3A_1247 = arith.index_cast %rem3A_238 : i32 to index
        %swap3A_1248 = arith.index_cast %swap3A_1246 : i32 to index
        %swap3A_1249 = arith.index_cast %scan3A_318 : i32 to index
        %swap3A_1250 = arith.constant 704 : index
        %swap3A_1251 = tpu.vector_load %arg6[%swap3A_1247, %swap3A_1248, %swap3A_1249, %swap3A_1250] {strides = array<i32>} : memref<8x2x8x768xf32, #tpu.memory_space<vmem>>, vector<1x1x1x16xf32>,
        %swap3A_1252 = vector.shape_cast %swap3A_1251 : vector<1x1x1x16xf32> to vector<16xf32>
        %swap3A_1253 = vector.shape_cast %get3A_1201 : vector<16xf32> to vector<1x1x1x16xf32>
        tpu.vector_store %arg6[%swap3A_1247, %swap3A_1248, %swap3A_1249, %swap3A_1250], %swap3A_1253 {add = true, strides = array<i32>} : memref<8x2x8x768xf32, #tpu.memory_space<vmem>>, vector<1x1x1x16xf32>,
        %swap3A_1254 = arith.constant 1 : i32
        %swap3A_1255 = arith.index_cast %rem3A_238 : i32 to index
        %swap3A_1256 = arith.index_cast %swap3A_1254 : i32 to index
        %swap3A_1257 = arith.index_cast %scan3A_318 : i32 to index
        %swap3A_1258 = arith.constant 720 : index
        %swap3A_1259 = tpu.vector_load %arg6[%swap3A_1255, %swap3A_1256, %swap3A_1257, %swap3A_1258] {strides = array<i32>} : memref<8x2x8x768xf32, #tpu.memory_space<vmem>>, vector<1x1x1x16xf32>,
        %swap3A_1260 = vector.shape_cast %swap3A_1259 : vector<1x1x1x16xf32> to vector<16xf32>
        %swap3A_1261 = vector.shape_cast %get3A_1205 : vector<16xf32> to vector<1x1x1x16xf32>
        tpu.vector_store %arg6[%swap3A_1255, %swap3A_1256, %swap3A_1257, %swap3A_1258], %swap3A_1261 {add = true, strides = array<i32>} : memref<8x2x8x768xf32, #tpu.memory_space<vmem>>, vector<1x1x1x16xf32>,
        %swap3A_1262 = arith.constant 1 : i32
        %swap3A_1263 = arith.index_cast %rem3A_238 : i32 to index
        %swap3A_1264 = arith.index_cast %swap3A_1262 : i32 to index
        %swap3A_1265 = arith.index_cast %scan3A_318 : i32 to index
        %swap3A_1266 = arith.constant 736 : index
        %swap3A_1267 = tpu.vector_load %arg6[%swap3A_1263, %swap3A_1264, %swap3A_1265, %swap3A_1266] {strides = array<i32>} : memref<8x2x8x768xf32, #tpu.memory_space<vmem>>, vector<1x1x1x16xf32>,
        %swap3A_1268 = vector.shape_cast %swap3A_1267 : vector<1x1x1x16xf32> to vector<16xf32>
        %swap3A_1269 = vector.shape_cast %get3A_1209 : vector<16xf32> to vector<1x1x1x16xf32>
        tpu.vector_store %arg6[%swap3A_1263, %swap3A_1264, %swap3A_1265, %swap3A_1266], %swap3A_1269 {add = true, strides = array<i32>} : memref<8x2x8x768xf32, #tpu.memory_space<vmem>>, vector<1x1x1x16xf32>,
        %swap3A_1270 = arith.constant 1 : i32
        %swap3A_1271 = arith.index_cast %rem3A_238 : i32 to index
        %swap3A_1272 = arith.index_cast %swap3A_1270 : i32 to index
        %swap3A_1273 = arith.index_cast %scan3A_318 : i32 to index
        %swap3A_1274 = arith.constant 752 : index
        %swap3A_1275 = tpu.vector_load %arg6[%swap3A_1271, %swap3A_1272, %swap3A_1273, %swap3A_1274] {strides = array<i32>} : memref<8x2x8x768xf32, #tpu.memory_space<vmem>>, vector<1x1x1x16xf32>,
        %swap3A_1276 = vector.shape_cast %swap3A_1275 : vector<1x1x1x16xf32> to vector<16xf32>
        %swap3A_1277 = vector.shape_cast %get3A_1213 : vector<16xf32> to vector<1x1x1x16xf32>
        tpu.vector_store %arg6[%swap3A_1271, %swap3A_1272, %swap3A_1273, %swap3A_1274], %swap3A_1277 {add = true, strides = array<i32>} : memref<8x2x8x768xf32, #tpu.memory_space<vmem>>, vector<1x1x1x16xf32>,
      }
      %scan3A_292 = arith.constant 8 : i32
      %div3A_293 = arith.constant 4 : i32
      %div3A_294 = arith.divsi %scan3A_236, %div3A_293 : i32
      %rem3A_295 = arith.constant 4 : i32
      %rem3A_296 = arith.remsi %scan3A_236, %rem3A_295 : i32
      %mul3A_297 = arith.constant 2 : i32
      %mul3A_298 = arith.muli %div3A_294, %mul3A_297 : i32
      %mul3A_299 = arith.constant 8 : i32
      %mul3A_300 = arith.muli %rem3A_296, %mul3A_299 : i32
      %add3A_301 = arith.addi %mul3A_2, %mul3A_300 : i32
      %dma_start3A_302 = arith.constant 0 : i32
      %dma_start3A_303 = arith.constant 0 : i32
      %dma_start3A_304 = arith.constant 0 : i32
      %dma_start3A_305 = tpu.memref_slice %arg6[%rem3A_238, %dma_start3A_302, %dma_start3A_303, %dma_start3A_304] : memref<8x2x8x768xf32, #tpu.memory_space<vmem>> -> memref<1x2x8x768xf32, #tpu.memory_space<vmem>>
      %dma_start3A_306 = tpu.memref_squeeze %dma_start3A_305 : memref<1x2x8x768xf32, #tpu.memory_space<vmem>> -> memref<2x8x768xf32, #tpu.memory_space<vmem>>
      %dma_start3A_307 = arith.constant 0 : i32
      %dma_start3A_308 = tpu.memref_slice %arg4[%mul3A_298, %add3A_301, %dma_start3A_307] : memref<64x1024x768xf32, #tpu.memory_space<hbm>> -> memref<2x8x768xf32, #tpu.memory_space<hbm>>
      %dma_start3A_309 = tpu.memref_slice %arg8[%rem3A_238] : memref<8x!tpu.dma_semaphore, #tpu.memory_space<semaphore_mem>> -> memref<1x!tpu.dma_semaphore, #tpu.memory_space<semaphore_mem>>
      %dma_start3A_310 = tpu.memref_squeeze %dma_start3A_309 : memref<1x!tpu.dma_semaphore, #tpu.memory_space<semaphore_mem>> -> memref<!tpu.dma_semaphore, #tpu.memory_space<semaphore_mem>>
      %dma_start3A_311 = arith.constant 0 : i32
      %dma_start3A_312 = tpu.memref_slice %arg4[%mul3A_298, %add3A_301, %dma_start3A_311] : memref<64x1024x768xf32, #tpu.memory_space<hbm>> -> memref<2x8x768xf32, #tpu.memory_space<hbm>>
      %dma_start3A_313 = arith.constant 0 : i32
      %dma_start3A_314 = arith.constant 0 : i32
      %dma_start3A_315 = arith.constant 0 : i32
      %dma_start3A_316 = tpu.memref_slice %arg6[%rem3A_238, %dma_start3A_313, %dma_start3A_314, %dma_start3A_315] : memref<8x2x8x768xf32, #tpu.memory_space<vmem>> -> memref<1x2x8x768xf32, #tpu.memory_space<vmem>>
      %dma_start3A_317 = tpu.memref_squeeze %dma_start3A_316 : memref<1x2x8x768xf32, #tpu.memory_space<vmem>> -> memref<2x8x768xf32, #tpu.memory_space<vmem>>
      tpu.enqueue_dma source(%dma_start3A_317 : memref<2x8x768xf32, #tpu.memory_space<vmem>>) target(%dma_start3A_312 : memref<2x8x768xf32, #tpu.memory_space<hbm>>) target_semaphore(%dma_start3A_310 : memref<!tpu.dma_semaphore, #tpu.memory_space<semaphore_mem>>)
    }
    %scan3A_120 = arith.constant 128 : i32
    %div3A_121 = arith.constant 124 : i32
    %div3A_122 = arith.constant 4 : i32
    %div3A_123 = arith.divsi %div3A_121, %div3A_122 : i32
    %rem3A_124 = arith.constant 124 : i32
    %rem3A_125 = arith.constant 4 : i32
    %rem3A_126 = arith.remsi %rem3A_124, %rem3A_125 : i32
    %mul3A_127 = arith.constant 2 : i32
    %mul3A_128 = arith.muli %div3A_123, %mul3A_127 : i32
    %mul3A_129 = arith.constant 8 : i32
    %mul3A_130 = arith.muli %rem3A_126, %mul3A_129 : i32
    %add3A_131 = arith.addi %mul3A_2, %mul3A_130 : i32
    %dma_wait3A = arith.constant 4 : i32
    %dma_wait3A_132 = arith.constant 4 : i32
    %dma_wait3A_133 = arith.constant 0 : i32
    %dma_wait3A_134 = arith.constant 0 : i32
    %dma_wait3A_135 = arith.constant 0 : i32
    %dma_wait3A_136 = tpu.memref_slice %arg6[%dma_wait3A, %dma_wait3A_133, %dma_wait3A_134, %dma_wait3A_135] : memref<8x2x8x768xf32, #tpu.memory_space<vmem>> -> memref<1x2x8x768xf32, #tpu.memory_space<vmem>>
    %dma_wait3A_137 = tpu.memref_squeeze %dma_wait3A_136 : memref<1x2x8x768xf32, #tpu.memory_space<vmem>> -> memref<2x8x768xf32, #tpu.memory_space<vmem>>
    %dma_wait3A_138 = arith.constant 0 : i32
    %dma_wait3A_139 = tpu.memref_slice %arg4[%mul3A_128, %add3A_131, %dma_wait3A_138] : memref<64x1024x768xf32, #tpu.memory_space<hbm>> -> memref<2x8x768xf32, #tpu.memory_space<hbm>>
    %dma_wait3A_140 = tpu.memref_slice %arg8[%dma_wait3A_132] : memref<8x!tpu.dma_semaphore, #tpu.memory_space<semaphore_mem>> -> memref<1x!tpu.dma_semaphore, #tpu.memory_space<semaphore_mem>>
    %dma_wait3A_141 = tpu.memref_squeeze %dma_wait3A_140 : memref<1x!tpu.dma_semaphore, #tpu.memory_space<semaphore_mem>> -> memref<!tpu.dma_semaphore, #tpu.memory_space<semaphore_mem>>
    %dma_wait3A_142 = arith.constant 0 : i32
    %dma_wait3A_143 = tpu.memref_slice %arg4[%mul3A_128, %add3A_131, %dma_wait3A_142] : memref<64x1024x768xf32, #tpu.memory_space<hbm>> -> memref<2x8x768xf32, #tpu.memory_space<hbm>>
    %dma_wait3A_144 = arith.constant 0 : i32
    %dma_wait3A_145 = arith.constant 0 : i32
    %dma_wait3A_146 = arith.constant 0 : i32
    %dma_wait3A_147 = tpu.memref_slice %arg6[%dma_wait3A, %dma_wait3A_144, %dma_wait3A_145, %dma_wait3A_146] : memref<8x2x8x768xf32, #tpu.memory_space<vmem>> -> memref<1x2x8x768xf32, #tpu.memory_space<vmem>>
    %dma_wait3A_148 = tpu.memref_squeeze %dma_wait3A_147 : memref<1x2x8x768xf32, #tpu.memory_space<vmem>> -> memref<2x8x768xf32, #tpu.memory_space<vmem>>
    tpu.wait_dma2 semaphore(%dma_wait3A_141 : memref<!tpu.dma_semaphore, #tpu.memory_space<semaphore_mem>>) src(%dma_wait3A_148 : memref<2x8x768xf32, #tpu.memory_space<vmem>>) dst(%dma_wait3A_143 : memref<2x8x768xf32, #tpu.memory_space<hbm>>)
    %div3A_149 = arith.constant 125 : i32
    %div3A_150 = arith.constant 4 : i32
    %div3A_151 = arith.divsi %div3A_149, %div3A_150 : i32
    %rem3A_152 = arith.constant 125 : i32
    %rem3A_153 = arith.constant 4 : i32
    %rem3A_154 = arith.remsi %rem3A_152, %rem3A_153 : i32
    %mul3A_155 = arith.constant 2 : i32
    %mul3A_156 = arith.muli %div3A_151, %mul3A_155 : i32
    %mul3A_157 = arith.constant 8 : i32
    %mul3A_158 = arith.muli %rem3A_154, %mul3A_157 : i32
    %add3A_159 = arith.addi %mul3A_2, %mul3A_158 : i32
    %dma_wait3A_160 = arith.constant 5 : i32
    %dma_wait3A_161 = arith.constant 5 : i32
    %dma_wait3A_162 = arith.constant 0 : i32
    %dma_wait3A_163 = arith.constant 0 : i32
    %dma_wait3A_164 = arith.constant 0 : i32
    %dma_wait3A_165 = tpu.memref_slice %arg6[%dma_wait3A_160, %dma_wait3A_162, %dma_wait3A_163, %dma_wait3A_164] : memref<8x2x8x768xf32, #tpu.memory_space<vmem>> -> memref<1x2x8x768xf32, #tpu.memory_space<vmem>>
    %dma_wait3A_166 = tpu.memref_squeeze %dma_wait3A_165 : memref<1x2x8x768xf32, #tpu.memory_space<vmem>> -> memref<2x8x768xf32, #tpu.memory_space<vmem>>
    %dma_wait3A_167 = arith.constant 0 : i32
    %dma_wait3A_168 = tpu.memref_slice %arg4[%mul3A_156, %add3A_159, %dma_wait3A_167] : memref<64x1024x768xf32, #tpu.memory_space<hbm>> -> memref<2x8x768xf32, #tpu.memory_space<hbm>>
    %dma_wait3A_169 = tpu.memref_slice %arg8[%dma_wait3A_161] : memref<8x!tpu.dma_semaphore, #tpu.memory_space<semaphore_mem>> -> memref<1x!tpu.dma_semaphore, #tpu.memory_space<semaphore_mem>>
    %dma_wait3A_170 = tpu.memref_squeeze %dma_wait3A_169 : memref<1x!tpu.dma_semaphore, #tpu.memory_space<semaphore_mem>> -> memref<!tpu.dma_semaphore, #tpu.memory_space<semaphore_mem>>
    %dma_wait3A_171 = arith.constant 0 : i32
    %dma_wait3A_172 = tpu.memref_slice %arg4[%mul3A_156, %add3A_159, %dma_wait3A_171] : memref<64x1024x768xf32, #tpu.memory_space<hbm>> -> memref<2x8x768xf32, #tpu.memory_space<hbm>>
    %dma_wait3A_173 = arith.constant 0 : i32
    %dma_wait3A_174 = arith.constant 0 : i32
    %dma_wait3A_175 = arith.constant 0 : i32
    %dma_wait3A_176 = tpu.memref_slice %arg6[%dma_wait3A_160, %dma_wait3A_173, %dma_wait3A_174, %dma_wait3A_175] : memref<8x2x8x768xf32, #tpu.memory_space<vmem>> -> memref<1x2x8x768xf32, #tpu.memory_space<vmem>>
    %dma_wait3A_177 = tpu.memref_squeeze %dma_wait3A_176 : memref<1x2x8x768xf32, #tpu.memory_space<vmem>> -> memref<2x8x768xf32, #tpu.memory_space<vmem>>
    tpu.wait_dma2 semaphore(%dma_wait3A_170 : memref<!tpu.dma_semaphore, #tpu.memory_space<semaphore_mem>>) src(%dma_wait3A_177 : memref<2x8x768xf32, #tpu.memory_space<vmem>>) dst(%dma_wait3A_172 : memref<2x8x768xf32, #tpu.memory_space<hbm>>)
    %div3A_178 = arith.constant 126 : i32
    %div3A_179 = arith.constant 4 : i32
    %div3A_180 = arith.divsi %div3A_178, %div3A_179 : i32
    %rem3A_181 = arith.constant 126 : i32
    %rem3A_182 = arith.constant 4 : i32
    %rem3A_183 = arith.remsi %rem3A_181, %rem3A_182 : i32
    %mul3A_184 = arith.constant 2 : i32
    %mul3A_185 = arith.muli %div3A_180, %mul3A_184 : i32
    %mul3A_186 = arith.constant 8 : i32
    %mul3A_187 = arith.muli %rem3A_183, %mul3A_186 : i32
    %add3A_188 = arith.addi %mul3A_2, %mul3A_187 : i32
    %dma_wait3A_189 = arith.constant 6 : i32
    %dma_wait3A_190 = arith.constant 6 : i32
    %dma_wait3A_191 = arith.constant 0 : i32
    %dma_wait3A_192 = arith.constant 0 : i32
    %dma_wait3A_193 = arith.constant 0 : i32
    %dma_wait3A_194 = tpu.memref_slice %arg6[%dma_wait3A_189, %dma_wait3A_191, %dma_wait3A_192, %dma_wait3A_193] : memref<8x2x8x768xf32, #tpu.memory_space<vmem>> -> memref<1x2x8x768xf32, #tpu.memory_space<vmem>>
    %dma_wait3A_195 = tpu.memref_squeeze %dma_wait3A_194 : memref<1x2x8x768xf32, #tpu.memory_space<vmem>> -> memref<2x8x768xf32, #tpu.memory_space<vmem>>
    %dma_wait3A_196 = arith.constant 0 : i32
    %dma_wait3A_197 = tpu.memref_slice %arg4[%mul3A_185, %add3A_188, %dma_wait3A_196] : memref<64x1024x768xf32, #tpu.memory_space<hbm>> -> memref<2x8x768xf32, #tpu.memory_space<hbm>>
    %dma_wait3A_198 = tpu.memref_slice %arg8[%dma_wait3A_190] : memref<8x!tpu.dma_semaphore, #tpu.memory_space<semaphore_mem>> -> memref<1x!tpu.dma_semaphore, #tpu.memory_space<semaphore_mem>>
    %dma_wait3A_199 = tpu.memref_squeeze %dma_wait3A_198 : memref<1x!tpu.dma_semaphore, #tpu.memory_space<semaphore_mem>> -> memref<!tpu.dma_semaphore, #tpu.memory_space<semaphore_mem>>
    %dma_wait3A_200 = arith.constant 0 : i32
    %dma_wait3A_201 = tpu.memref_slice %arg4[%mul3A_185, %add3A_188, %dma_wait3A_200] : memref<64x1024x768xf32, #tpu.memory_space<hbm>> -> memref<2x8x768xf32, #tpu.memory_space<hbm>>
    %dma_wait3A_202 = arith.constant 0 : i32
    %dma_wait3A_203 = arith.constant 0 : i32
    %dma_wait3A_204 = arith.constant 0 : i32
    %dma_wait3A_205 = tpu.memref_slice %arg6[%dma_wait3A_189, %dma_wait3A_202, %dma_wait3A_203, %dma_wait3A_204] : memref<8x2x8x768xf32, #tpu.memory_space<vmem>> -> memref<1x2x8x768xf32, #tpu.memory_space<vmem>>
    %dma_wait3A_206 = tpu.memref_squeeze %dma_wait3A_205 : memref<1x2x8x768xf32, #tpu.memory_space<vmem>> -> memref<2x8x768xf32, #tpu.memory_space<vmem>>
    tpu.wait_dma2 semaphore(%dma_wait3A_199 : memref<!tpu.dma_semaphore, #tpu.memory_space<semaphore_mem>>) src(%dma_wait3A_206 : memref<2x8x768xf32, #tpu.memory_space<vmem>>) dst(%dma_wait3A_201 : memref<2x8x768xf32, #tpu.memory_space<hbm>>)
    %div3A_207 = arith.constant 127 : i32
    %div3A_208 = arith.constant 4 : i32
    %div3A_209 = arith.divsi %div3A_207, %div3A_208 : i32
    %rem3A_210 = arith.constant 127 : i32
    %rem3A_211 = arith.constant 4 : i32
    %rem3A_212 = arith.remsi %rem3A_210, %rem3A_211 : i32
    %mul3A_213 = arith.constant 2 : i32
    %mul3A_214 = arith.muli %div3A_209, %mul3A_213 : i32
    %mul3A_215 = arith.constant 8 : i32
    %mul3A_216 = arith.muli %rem3A_212, %mul3A_215 : i32
    %add3A_217 = arith.addi %mul3A_2, %mul3A_216 : i32
    %dma_wait3A_218 = arith.constant 7 : i32
    %dma_wait3A_219 = arith.constant 7 : i32
    %dma_wait3A_220 = arith.constant 0 : i32
    %dma_wait3A_221 = arith.constant 0 : i32
    %dma_wait3A_222 = arith.constant 0 : i32
    %dma_wait3A_223 = tpu.memref_slice %arg6[%dma_wait3A_218, %dma_wait3A_220, %dma_wait3A_221, %dma_wait3A_222] : memref<8x2x8x768xf32, #tpu.memory_space<vmem>> -> memref<1x2x8x768xf32, #tpu.memory_space<vmem>>
    %dma_wait3A_224 = tpu.memref_squeeze %dma_wait3A_223 : memref<1x2x8x768xf32, #tpu.memory_space<vmem>> -> memref<2x8x768xf32, #tpu.memory_space<vmem>>
    %dma_wait3A_225 = arith.constant 0 : i32
    %dma_wait3A_226 = tpu.memref_slice %arg4[%mul3A_214, %add3A_217, %dma_wait3A_225] : memref<64x1024x768xf32, #tpu.memory_space<hbm>> -> memref<2x8x768xf32, #tpu.memory_space<hbm>>
    %dma_wait3A_227 = tpu.memref_slice %arg8[%dma_wait3A_219] : memref<8x!tpu.dma_semaphore, #tpu.memory_space<semaphore_mem>> -> memref<1x!tpu.dma_semaphore, #tpu.memory_space<semaphore_mem>>
    %dma_wait3A_228 = tpu.memref_squeeze %dma_wait3A_227 : memref<1x!tpu.dma_semaphore, #tpu.memory_space<semaphore_mem>> -> memref<!tpu.dma_semaphore, #tpu.memory_space<semaphore_mem>>
    %dma_wait3A_229 = arith.constant 0 : i32
    %dma_wait3A_230 = tpu.memref_slice %arg4[%mul3A_214, %add3A_217, %dma_wait3A_229] : memref<64x1024x768xf32, #tpu.memory_space<hbm>> -> memref<2x8x768xf32, #tpu.memory_space<hbm>>
    %dma_wait3A_231 = arith.constant 0 : i32
    %dma_wait3A_232 = arith.constant 0 : i32
    %dma_wait3A_233 = arith.constant 0 : i32
    %dma_wait3A_234 = tpu.memref_slice %arg6[%dma_wait3A_218, %dma_wait3A_231, %dma_wait3A_232, %dma_wait3A_233] : memref<8x2x8x768xf32, #tpu.memory_space<vmem>> -> memref<1x2x8x768xf32, #tpu.memory_space<vmem>>
    %dma_wait3A_235 = tpu.memref_squeeze %dma_wait3A_234 : memref<1x2x8x768xf32, #tpu.memory_space<vmem>> -> memref<2x8x768xf32, #tpu.memory_space<vmem>>
    tpu.wait_dma2 semaphore(%dma_wait3A_228 : memref<!tpu.dma_semaphore, #tpu.memory_space<semaphore_mem>>) src(%dma_wait3A_235 : memref<2x8x768xf32, #tpu.memory_space<vmem>>) dst(%dma_wait3A_230 : memref<2x8x768xf32, #tpu.memory_space<hbm>>)
    return
  }
}

</mosaic_0001>

<sc_bundles>
// kernel: kernel.3.cloned.1.call-start
scs
__scs_entry_jumppad:
0x0: {  	(pc) =	sbr.rel $0x88, $3  }
0x1: {  	(tag) =	ssettag $0x0;
	lr =	simm.s32 $0x1  }
0x2: {  	[smem:$0x3F9F] =	sst lr;
	_ =	strace $0xD0000000  }
0x3: {  	_ = 	snop  }
0x4: {  	_ = 	snop  }
0x5: {  	_ = 	snop  }
0x6: {  	_ = 	snop  }
0x7: {  	_ = 	snop  }
__scs_overlays_trampoline_lowered:
0x8: {  	[smem:$0x3FAE] =	sst s0  }
0x9: {  	[smem:$0x3FAF] =	sst s1  }
0xa: {  	[smem:$0x3FB0] =	sst s2  }
0xb: {  	[smem:$0x3FB1] =	sst s3  }
0xc: {  	[smem:$0x3FB2] =	sst s4  }
0xd: {  	[smem:$0x3FB3] =	sst s5  }
0xe: {  	[smem:$0x3FB4] =	sst s6  }
0xf: {  	[smem:$0x3FB5] =	sst s7  }
0x10: {  	[smem:$0x3FB6] =	sst s8  }
0x11: {  	[smem:$0x3FB7] =	sst s9;
	s0 =	simm.s32 @!p0 $0x0  }
0x12: {  	s1 =	sld [smem:$0x3F9D];
	s0 =	simm.s32 @p0 $0x1  }
0x13: {  	[smem:$0x3FB8] =	sst s0;
	s0 =	simm.s32 @!p1 $0x0  }
0x14: {  	s2 =	sld [smem:$0x3F9C];
	s0 =	simm.s32 @p1 $0x1  }
0x15: {  	[smem:$0x3FB9] =	sst s0;
	s0 =	simm.s32 @!p2 $0x0  }
0x16: {  	s3 =	sld [smem:$0x3FDB];
	s0 =	simm.s32 @p2 $0x1  }
0x17: {  	s4 =	simm.s32 $0x1BF5;
	[smem:$0x3FBB] =	sst s0  }
0x18: {  	s0 =	sld [smem:$0x3F9E];
	_ =	swait.ge [sflag:s4], $0x0  }
0x19: {  	s7 =	sld [smem:$0x3F9F]  }
0x1a: {  	s8 =	sadd.s32 $0xFFFFE003, lr  }
0x1b: {  	s9 =	sadd.s32 $0xFFFFFEF7, lr;
	s5 =	simm.s32 $0xFFFFFFFF;
	p2 =	slt.u32 s8, $0xFFFFF086  }
0x1c: {  	p1 =	slt.u32 s9, $0xF7A;
	s5 =	simm.s32 @!p2 $0x0  }
0x1d: {  	s5 =	simm.s32 @p1 $0x1;
	p0 =	seq.s32 s7, s2  }
0x1e: {  	s7 =	smul.u32 @!p0 $0xF7A, s2;
	p2 =	seq.s32 @!p0 s5, $0x0  }
0x1f: {  	s9 =	smul.u32 $0xF7A, s1;
	s8 =	simm.s32 @!p0 $0x1BF5;
	p2 =	por !p2, p0  }
0x20: {  	[sflag:s8] =	ssyncset.s32 @!p0 $0xFFFFF086;
	s6 =	sadd.s32 @!p0 s3, s7;
	s7 =	simm.s32 @!p0 $0x108  }
0x21: {  	s3 =	sadd.s32 s3, s9;
	s6 =	sadd.s32 @!p0 $0x88, s6;
	s7 =	simm.s32 @p2 $0x1082  }
0x22: {  	[simem:s7], [sflag:s8] =	dma.local @!p0 [hbm:s6], $0xF7A  }
0x23: {  	s9 =	sor.u32 $0xD0000000, s2;
	s6 =	simm.s32 $0x108;
	_ =	swait.ge @!p0 [sflag:s8], $0x0  }
0x24: {  	s3 =	sadd.s32 $0x88, s3;
	s6 =	simm.s32 @!p1 $0x1082;
	[sflag:s4] =	ssyncset.s32 $0xFFFFF086  }
0x25: {  	[simem:s6], [sflag:s4] =	dma.local [hbm:s3], $0xF7A  }
0x26: {  	[smem:$0x3F9F] =	sst s1;
	(tag) =	ssettag s2;
	_ =	strace s9  }
0x27: {  	s1 =	sld [smem:$0x3FAF]  }
0x28: {  	s2 =	sld [smem:$0x3FB0]  }
0x29: {  	s4 =	sld [smem:$0x3FB2]  }
0x2a: {  	p0 =	seq.s32 s5, $0x0;
	s5 =	sld [smem:$0x3FB3]  }
0x2b: {  	s6 =	sld [smem:$0x3FB4]  }
0x2c: {  	s7 =	sld [smem:$0x3FB5]  }
0x2d: {  	s3 =	simm.s32 $0x108;
	s8 =	sld [smem:$0x3FB6]  }
0x2e: {  	s3 =	simm.s32 @!p0 $0x1082;
	s9 =	sld [smem:$0x3FB7]  }
0x2f: {  	lr =	sadd.s32 s0, s3;
	s0 =	sld [smem:$0x3FAE]  }
0x30: {  	s3 =	sld [smem:$0x3FB1]  }
0x31: {  	[smem:$0x3FBA] =	sst s10  }
0x32: {  	s10 =	sld [smem:$0x3FB8];
	_ =	sdelay $0x3  }
0x33: {  	p0 =	seq.s32 s10, $0x1;
	s10 =	sld [smem:$0x3FBA];
	_ =	sdelay $0x3  }
0x34: {  	[smem:$0x3FBA] =	sst s10  }
0x35: {  	s10 =	sld [smem:$0x3FB9];
	_ =	sdelay $0x3  }
0x36: {  	p1 =	seq.s32 s10, $0x1;
	s10 =	sld [smem:$0x3FBA];
	_ =	sdelay $0x3  }
0x37: {  	[smem:$0x3FBA] =	sst s10  }
0x38: {  	s10 =	sld [smem:$0x3FBB]  }
0x39: {  	_ = 	snop;
	(pc) =	sbr.ind lr, $3  }
0x3a: {  	_ = 	snop  }
0x3b: {  	_ = 	snop  }
0x3c: {  	p2 =	seq.s32 s10, $0x1;
	s10 =	sld [smem:$0x3FBA]  }
0x3d: {  	_ =	shalt  }
0x3e: {  	_ =	shalt  }
0x3f: {  	_ =	shalt  }
0x40: {  	_ =	shalt  }
0x41: {  	_ =	shalt  }
0x42: {  	_ =	shalt  }
0x43: {  	_ =	shalt  }
0x44: {  	_ =	shalt  }
0x45: {  	_ =	shalt  }
0x46: {  	_ =	shalt  }
0x47: {  	_ =	shalt  }
0x48: {  	_ =	shalt  }
0x49: {  	_ =	shalt  }
0x4a: {  	_ =	shalt  }
0x4b: {  	_ =	shalt  }
0x4c: {  	_ =	shalt  }
0x4d: {  	_ =	shalt  }
0x4e: {  	_ =	shalt  }
0x4f: {  	_ =	shalt  }
0x50: {  	_ =	shalt  }
0x51: {  	_ =	shalt  }
0x52: {  	_ =	shalt  }
0x53: {  	_ =	shalt  }
0x54: {  	_ =	shalt  }
0x55: {  	_ =	shalt  }
0x56: {  	_ =	shalt  }
0x57: {  	_ =	shalt  }
0x58: {  	_ =	shalt  }
0x59: {  	_ =	shalt  }
0x5a: {  	_ =	shalt  }
0x5b: {  	_ =	shalt  }
0x5c: {  	_ =	shalt  }
0x5d: {  	_ =	shalt  }
0x5e: {  	_ =	shalt  }
0x5f: {  	_ =	shalt  }
0x60: {  	_ =	shalt  }
0x61: {  	_ =	shalt  }
0x62: {  	_ =	shalt  }
0x63: {  	_ =	shalt  }
0x64: {  	_ =	shalt  }
0x65: {  	_ =	shalt  }
0x66: {  	_ =	shalt  }
0x67: {  	_ =	shalt  }
0x68: {  	_ =	shalt  }
0x69: {  	_ =	shalt  }
0x6a: {  	_ =	shalt  }
0x6b: {  	_ =	shalt  }
0x6c: {  	_ =	shalt  }
0x6d: {  	_ =	shalt  }
0x6e: {  	_ =	shalt  }
0x6f: {  	_ =	shalt  }
0x70: {  	_ =	shalt  }
0x71: {  	_ =	shalt  }
0x72: {  	_ =	shalt  }
0x73: {  	_ =	shalt  }
0x74: {  	_ =	shalt  }
0x75: {  	_ =	shalt  }
0x76: {  	_ =	shalt  }
0x77: {  	_ =	shalt  }
0x78: {  	_ =	shalt  }
0x79: {  	_ =	shalt  }
0x7a: {  	_ =	shalt  }
0x7b: {  	_ =	shalt  }
0x7c: {  	_ =	shalt  }
0x7d: {  	_ =	shalt  }
0x7e: {  	_ =	shalt  }
0x7f: {  	_ =	shalt  }
0x80: {  	_ =	shalt  }
0x81: {  	_ =	shalt  }
0x82: {  	_ =	shalt  }
0x83: {  	_ =	shalt  }
0x84: {  	_ =	shalt  }
0x85: {  	_ =	shalt  }
0x86: {  	_ =	shalt  }
0x87: {  	_ =	shalt  }
.Lfunc_end0:
.L_simem_size_0:
called_computation_lowered:
.L_overlay_start_0:
0x88: {  	s2 =	sld [smem:$0x3FD9]  }
0x89: {  	s3 =	sld [smem:$0x3FFE];
	_ =	sdelay $0x1  }
0x8a: {  	s1 =	srdreg.scid  }
0x8b: {  	s0 =	sand.u32 $0x1, s1  }
0x8c: {  	s18 =	sshll.u32 s0, $0xA;
	s2 =	sadd.s32 s3, s2  }
0x8d: {  	s2 =	sadd.s32 s2, s18  }
0x8e: {  	[smem:$0x3FC6] =	sst s2  }
0x8f: {  	_ = 	snop  }
0x90: {  	s2 =	sld [smem:$0x3FC9]  }
0x91: {  	s19 =	sld [smem:$0x3FC8]  }
0x92: {  	s4 =	sld [smem:$0x3FD0];
	(tm) =	ssettm $0x1  }
0x93: {  	s5 =	sld [smem:$0x3FFB];
	_ =	sdelay $0x3  }
0x94: {  	_ =	strace s5  }
0x95: {  	s5 =	sld [smem:$0x3FFC];
	_ =	sdelay $0x3  }
0x96: {  	_ =	strace s5  }
0x97: {  	s5 =	sld [smem:$0x3FFD];
	_ =	sdelay $0x3  }
0x98: {  	_ =	strace s5  }
0x99: {  	_ =	strace $0x8FFFFFFF  }
0x9a: {  	s20 =	sld [smem:$0x3FDB];
	_ =	sdelay $0x1  }
0x9b: {  	s6 =	simm.s32 $_scs_section_size  }
0x9c: {  	s7 =	simm.s32 $_size__tile_overlayer_lowered;
	s8 =	simm.s32 $_tile_overlayer_lowered  }
0x9d: {  	s23 =	simm.s32 $0x1BFF;
	s22 =	sshll.u32 s8, $0x1;
	s5 =	sadd.s32 s6, s20  }
0x9e: {  	s9 =	simm.s32 $0x0;
	s21 =	sshll.u32 s7, $0x1;
	s7 =	sadd.s32 s22, s5  }
0x9f: {  	[timem:s9], [sflag:s23] =	dma.local [hbm:s7], s21  }
0xa0: {  	_ =	swait.ge [sflag:s23], s21  }
0xa1: {  	s6 =	ssub.s32 $0x0, s21;
	[sflag:s23] =	ssyncset.done $0x0  }
0xa2: {  	[sflag:s23] =	ssyncadd.s32 s6;
	_ =	sdelay $0x1  }
0xa3: {  	s24 =	simm.s32 $0x1B8B  }
0xa4: {  	_ =	swait.ge [sflag:s24], $0x1  }
0xa5: {  	[sflag:s24] =	ssyncset.done $0x0  }
0xa6: {  	s25 =	simm.s32 $0x1B8E;
	[sflag:s24] =	ssyncadd.s32 $0xFFFFFFFF  }
0xa7: {  	s26 =	simm.s32 $execute0_lowered;
	[smem:$0x3FD2] =	sst s25  }
0xa8: {  	s6 =	sshll.u32 s26, $0x1;
	_ =	strace $0x80000046;
	[dreg:$0x1] =	wrdreg $0xFFFFFFFF  }
0xa9: {  	s28 =	simm.s32 $_size_execute0_lowered;
	s5 =	sadd.s32 s5, s6;
	[dreg:$0x0] =	wrdreg $0x0  }
0xaa: {  	s6 =	sshll.u32 s28, $0x1;
	[dreg:$0x2] =	wrdreg s5  }
0xab: {  	[dreg:$0x3] =	wrdreg s6  }
0xac: {  	[dreg:$0x4] =	wrdreg $0xC0  }
0xad: {  	_ =	task [dreg:s9], $0x5FFFF  }
0xae: {  	[dreg:$0x1] =	wrdreg $0xFFFFFFFF  }
0xaf: {  	[dreg:$0x0] =	wrdreg $0x60  }
0xb0: {  	[dreg:$0x2] =	wrdreg s2  }
0xb1: {  	[dreg:$0x3] =	wrdreg s19  }
0xb2: {  	[dreg:$0x4] =	wrdreg s4  }
0xb3: {  	[dreg:$0x5] =	wrdreg $0x9  }
0xb4: {  	_ =	task.clear_ibuf [dreg:s9], $0x6FFFF;
	_ =	strace $0x90000046  }
0xb5: {  	s29 =	simm.s32 $0x9;
	_ =	strace $0x80000048  }
0xb6: {  	_ =	swait.ge [sflag:s29], $0x1  }
0xb7: {  	[sflag:s29] =	ssyncadd.s32 $0xFFFFFFFF  }
0xb8: {  	_ =	strace $0x90000048  }
0xb9: {  	_ =	sfence  }
0xba: {  	s30 =	sld [smem:$0x0];
	_ =	sdelay $0x2  }
0xbb: {  	s31 =	sshll.u32 s1, $0xD;
	s1 =	sshrl.u32 s1, $0x2  }
0xbc: {  	s3 =	sand.u32 $0x4000, s31;
	s1 =	sadd.s32 s1, s30  }
0xbd: {  	s0 =	sor.u32 s3, s0;
	s1 =	sshll.u32 s1, $0x11  }
0xbe: {  	s0 =	sor.u32 s1, s0  }
0xbf: {  	s0 =	sadd.s32 $0x8F2B, s0  }
0xc0: {  	[sflag:s0] =	ssyncadd.remote.s32 $0x1  }
0xc1: {  	_ =	sfence.sel $0xFFFF  }
0xc2: {  	[dreg:$0x0] =	wrdreg $0xFFFFFFFF;
	(pc) =	sbr.abs _section_cstart, $3  }
0xc3: {  	[dreg:$0x1] =	wrdreg $0xFFFFFFFF  }
0xc4: {  	_ =	task.clear_ibuf [dreg:s9], $0x2FFFF;
	_ =	strace $0x9FFFFFFF  }
0xc5: {  	(tm) =	ssettm $0x7FFFFFFF  }
tec
execute0_lowered:
.L_overlay_start_1:
0x0: {  	(tag) =	ssettag $0x1  }
0x1: {  	s1 =	rddreg [dreg:$0x0]  }
0x2: {  	s0 =	srdreg.scid;
	s6 =	rddreg [dreg:$0x1]  }
0x3: {  	s2 =	stileid.u32;
	s4 =	rddreg [dreg:$0x2]  }
0x4: {  	s7 =	simm.s32 $0x0;
	s13 =	simm.s32 $0x11;
	s14 =	simm.s32 $0x1800  }
0x5: {  	s15 =	simm.s32 $0xC0000;
	s19 =	simm.s32 $0xF000;
	s0 =	sand.u32 $0x1, s0  }
0x6: {  	s20 =	simm.s32 $0xD;
	s2 =	sshll.u32 s2, $0x6;
	s3 =	sshll.u32 s0, $0x5  }
0x7: {  	s21 =	simm.s32 $0xE;
	s22 =	simm.s32 $0xF;
	s3 =	sor.u32 s3, s2  }
0x8: {  	s23 =	simm.s32 $0x10;
	s0 =	ssub.s32 $0x2, s0;
	s5 =	sshrl.u32 s3, $0x3  }
0x9: {  	s24 =	simm.s32 $0x0;
	s30 =	sshrl.u32 s0, $0x1;
	s8 =	smul.u32 $0x1800, s5  }
0xa: {  	[smem:$0x7FF] =	sst s7;
	s0 =	ssub.s32 s0, s30;
	s29 =	smul.u32 $0x300, s5  }
0xb: {  	_ =	strace $0x80000047;
	s12 =	smax.u32 s0, $0x1;
	s10 =	sshrl.u32 s8, $0x3  }
0xc: {  	s7 =	sadd.s32 s1, s29;
	s8 =	sadd.s32 s6, s29;
	s31 =	sadd.s32 s1, s10  }
0xd: {  	s9 =	sadd.s32 $0x300, s7;
	s10 =	sadd.s32 $0x600, s31;
	s11 =	sadd.s32 $0x900, s31  }
.LBB2_1:
0xe: {  	s0 =	simm.s32 $0x0  }
0xf: {  	[tilespmem:s0], [sflag:$0x11] =	stream.linear.gather [hbm4b:s8+s0], $0x6000, $0x38;
	[tilespmem:$0x1E000] =	vst v63  }
0x10: {  	_ =	swait.ge [sflag:s13], $0x6000  }
0x11: {  	[sflag:s13] =	ssyncset.done $0x0  }
0x12: {  	s29 =	simm.s32 $0x6000;
	[sflag:s13] =	ssyncadd.s32 $0xFFFFA000  }
0x13: {  	[tilespmem:s29], [sflag:$0x1] =	stream.strided.gather [hbm4b:s7+s14], $0x3000, s15, s14, $0x38;
	[tilespmem:$0x1E000] =	vst v63  }
0x14: {  	s30 =	simm.s32 $0x9000  }
0x15: {  	[tilespmem:s30], [sflag:$0x2] =	stream.strided.gather [hbm4b:s9+s14], $0x3000, s15, s14, $0x38;
	[tilespmem:$0x1E000] =	vst v63  }
0x16: {  	s31 =	simm.s32 $0xC000  }
0x17: {  	[tilespmem:s31], [sflag:$0x3] =	stream.strided.gather [hbm4b:s10+s14], $0x3000, s15, s14, $0x38;
	[tilespmem:$0x1E000] =	vst v63  }
0x18: {  	s25 =	simm.s32 $0x0;
	s26 =	simm.s32 $0x0;
	s28 =	simm.s32 $0x0  }
0x19: {  	[tilespmem:s19], [sflag:$0x4] =	stream.strided.gather [hbm4b:s11+s14], $0x3000, s15, s14, $0x38;
	[tilespmem:$0x1E000] =	vst v63  }
.LBB2_2:
0x1a: {  	s29 =	sand.u32 $0x7, s28  }
0x1b: {  	s6 =	sadd.s32 $0x1, s29  }
0x1c: {  	s2 =	sadd.s32 $0x4, s28;
	_ =	swait.ge [sflag:s6], $0x3000  }
0x1d: {  	p0 =	slt.u32 s28, $0x4;
	s0 =	sand.u32 $0x7, s2;
	[sflag:s6] =	ssyncset.done $0x0  }
0x1e: {  	[sflag:s6] =	ssyncadd.s32 $0xFFFFD000;
	s6 =	sadd.s32 @!p0 $0x9, s0  }
0x1f: {  	p1 =	sgt.u32 @!p0 s28, $0x7B;
	_ =	swait.ge @!p0 [sflag:s6], $0x3000  }
0x20: {  	p1 =	por p0, !p1;
	[sflag:s6] =	ssyncset.done @!p0 $0x0  }
0x21: {  	s2 =	sshrl.u32 @p1 s2, $0x2;
	[sflag:s6] =	ssyncadd.s32 @!p0 $0xFFFFD000;
	s6 =	sand.u32 @p1 $0x3, s28  }
0x22: {  	s2 =	smul.u32 @p1 $0x180000, s2;
	s6 =	sor.u32 @p1 s5, s6  }
0x23: {  	s6 =	smul.u32 @p1 $0x1800, s6  }
0x24: {  	s16 =	smul.u32 @p1 $0xC000, s0  }
0x25: {  	s2 =	sadd.s32 @p1 s6, s2  }
0x26: {  	s6 =	sshrl.u32 @p1 s16, $0x2;
	s2 =	sshrl.u32 @p1 s2, $0x3  }
0x27: {  	s0 =	sadd.s32 @p1 $0x1, s0;
	s6 =	sadd.s32 @p1 $0x6000, s6;
	s2 =	sadd.s32 @p1 s1, s2  }
0x28: {  	[tilespmem:s6], [sflag:s0] =	stream.strided.gather @p1 [hbm4b:s2+s14], $0x3000, s15, s14, $0x38;
	[tilespmem:$0x1E000] =	vst v63  }
0x29: {  	s6 =	sand.u32 $0x3, s25  }
0x2a: {  	s0 =	smul.u32 $0x6000, s6;
	_ =	sdelay $0x1  }
0x2b: {  	s0 =	sshrl.u32 s0, $0x2  }
0x2c: {  	s0 =	sadd.s32 $0xC00, s0  }
0x2d: {  	v0 =	vmov s0;
	_ =	sdelay $0x3  }
0x2e: {  	s31 =	simm.s32 $0x0;
	s16 =	sand.u32 $0x7, s26  }
0x2f: {  	s0 =	smul.u32 $0xC000, s16;
	v1 =	vld.idx.msk [tilespmem:v0+s31+$0xFFFFF430 ss:$0x1], $0xffff;
	_ =	sdelay $0x1  }
0x30: {  	s0 =	sshrl.u32 s0, $0x2;
	v2 =	vld.idx.msk [tilespmem:v0+s31+$0xFFFFF400 ss:$0x1], $0xffff  }
0x31: {  	s0 =	sadd.s32 $0x6000, s0;
	v3 =	vld.idx.msk [tilespmem:v0+s31+$0xFFFFF420 ss:$0x1], $0xffff  }
0x32: {  	s30 =	sadd.s32 $0x0, s0;
	v4 =	vld.idx.msk [tilespmem:v0+s31+$0xFFFFF410 ss:$0x1], $0xffff  }
0x33: {  	[tilespmem:s30+$0x1830] =	vst.add.f32.msk $0xffff, v1  }
0x34: {  	[tilespmem:s30+$0x30] =	vst.add.f32.msk $0xffff, v1  }
0x35: {  	[tilespmem:s30+$0x0] =	vst.add.f32.msk $0xffff, v2  }
0x36: {  	[tilespmem:s30+$0x1800] =	vst.add.f32.msk $0xffff, v2  }
0x37: {  	[tilespmem:s30+$0x1820] =	vst.add.f32.msk $0xffff, v3  }
0x38: {  	[tilespmem:s30+$0x20] =	vst.add.f32.msk $0xffff, v3  }
0x39: {  	[tilespmem:s30+$0x10] =	vst.add.f32.msk $0xffff, v4  }
0x3a: {  	[tilespmem:s30+$0x1810] =	vst.add.f32.msk $0xffff, v4  }
0x3b: {  	v1 =	vld.idx.msk [tilespmem:v0+s31+$0xFFFFF440 ss:$0x1], $0xffff;
	_ =	sdelay $0x1  }
0x3c: {  	v2 =	vld.idx.msk [tilespmem:v0+s31+$0xFFFFF450 ss:$0x1], $0xffff  }
0x3d: {  	v3 =	vld.idx.msk [tilespmem:v0+s31+$0xFFFFF460 ss:$0x1], $0xffff  }
0x3e: {  	v4 =	vld.idx.msk [tilespmem:v0+s31+$0xFFFFF470 ss:$0x1], $0xffff  }
0x3f: {  	[tilespmem:s30+$0x40] =	vst.add.f32.msk $0xffff, v1  }
0x40: {  	[tilespmem:s30+$0x1840] =	vst.add.f32.msk $0xffff, v1  }
0x41: {  	[tilespmem:s30+$0x50] =	vst.add.f32.msk $0xffff, v2  }
0x42: {  	[tilespmem:s30+$0x1850] =	vst.add.f32.msk $0xffff, v2  }
0x43: {  	[tilespmem:s30+$0x60] =	vst.add.f32.msk $0xffff, v3  }
0x44: {  	[tilespmem:s30+$0x1860] =	vst.add.f32.msk $0xffff, v3  }
0x45: {  	[tilespmem:s30+$0x70] =	vst.add.f32.msk $0xffff, v4  }
0x46: {  	[tilespmem:s30+$0x1870] =	vst.add.f32.msk $0xffff, v4  }
0x47: {  	v1 =	vld.idx.msk [tilespmem:v0+s31+$0xFFFFF800 ss:$0x1], $0xffff;
	_ =	sdelay $0x1  }
0x48: {  	v2 =	vld.idx.msk [tilespmem:v0+s31+$0xFFFFF810 ss:$0x1], $0xffff  }
0x49: {  	v3 =	vld.idx.msk [tilespmem:v0+s31+$0xFFFFF820 ss:$0x1], $0xffff  }
0x4a: {  	v4 =	vld.idx.msk [tilespmem:v0+s31+$0xFFFFF830 ss:$0x1], $0xffff  }
0x4b: {  	[tilespmem:s30+$0x400] =	vst.add.f32.msk $0xffff, v1  }
0x4c: {  	[tilespmem:s30+$0x1C00] =	vst.add.f32.msk $0xffff, v1  }
0x4d: {  	[tilespmem:s30+$0x410] =	vst.add.f32.msk $0xffff, v2  }
0x4e: {  	[tilespmem:s30+$0x1C10] =	vst.add.f32.msk $0xffff, v2  }
0x4f: {  	[tilespmem:s30+$0x420] =	vst.add.f32.msk $0xffff, v3  }
0x50: {  	[tilespmem:s30+$0x1C30] =	vst.add.f32.msk $0xffff, v4  }
0x51: {  	[tilespmem:s30+$0x1C20] =	vst.add.f32.msk $0xffff, v3  }
0x52: {  	[tilespmem:s30+$0x430] =	vst.add.f32.msk $0xffff, v4  }
0x53: {  	v1 =	vld.idx.msk [tilespmem:v0+s31+$0xFFFFF840 ss:$0x1], $0xffff;
	_ =	sdelay $0x1  }
0x54: {  	v2 =	vld.idx.msk [tilespmem:v0+s31+$0xFFFFF850 ss:$0x1], $0xffff  }
0x55: {  	v3 =	vld.idx.msk [tilespmem:v0+s31+$0xFFFFF860 ss:$0x1], $0xffff  }
0x56: {  	v4 =	vld.idx.msk [tilespmem:v0+s31+$0xFFFFF870 ss:$0x1], $0xffff  }
0x57: {  	[tilespmem:s30+$0x440] =	vst.add.f32.msk $0xffff, v1  }
0x58: {  	[tilespmem:s30+$0x1C40] =	vst.add.f32.msk $0xffff, v1  }
0x59: {  	[tilespmem:s30+$0x450] =	vst.add.f32.msk $0xffff, v2  }
0x5a: {  	[tilespmem:s30+$0x460] =	vst.add.f32.msk $0xffff, v3  }
0x5b: {  	[tilespmem:s30+$0x1C50] =	vst.add.f32.msk $0xffff, v2  }
0x5c: {  	[tilespmem:s30+$0x1C60] =	vst.add.f32.msk $0xffff, v3  }
0x5d: {  	[tilespmem:s30+$0x1C70] =	vst.add.f32.msk $0xffff, v4  }
0x5e: {  	[tilespmem:s30+$0x470] =	vst.add.f32.msk $0xffff, v4  }
0x5f: {  	v1 =	vld.idx.msk [tilespmem:v0+s31+$0xFFFFFC00 ss:$0x1], $0xffff;
	_ =	sdelay $0x1  }
0x60: {  	v2 =	vld.idx.msk [tilespmem:v0+s31+$0xFFFFFC10 ss:$0x1], $0xffff  }
0x61: {  	v3 =	vld.idx.msk [tilespmem:v0+s31+$0xFFFFFC20 ss:$0x1], $0xffff  }
0x62: {  	v4 =	vld.idx.msk [tilespmem:v0+s31+$0xFFFFFC30 ss:$0x1], $0xffff  }
0x63: {  	[tilespmem:s30+$0x800] =	vst.add.f32.msk $0xffff, v1  }
0x64: {  	[tilespmem:s30+$0x2000] =	vst.add.f32.msk $0xffff, v1  }
0x65: {  	[tilespmem:s30+$0x810] =	vst.add.f32.msk $0xffff, v2  }
0x66: {  	[tilespmem:s30+$0x2010] =	vst.add.f32.msk $0xffff, v2  }
0x67: {  	[tilespmem:s30+$0x820] =	vst.add.f32.msk $0xffff, v3  }
0x68: {  	[tilespmem:s30+$0x2020] =	vst.add.f32.msk $0xffff, v3  }
0x69: {  	[tilespmem:s30+$0x830] =	vst.add.f32.msk $0xffff, v4  }
0x6a: {  	[tilespmem:s30+$0x2030] =	vst.add.f32.msk $0xffff, v4  }
0x6b: {  	v1 =	vld.idx.msk [tilespmem:v0+s31+$0xFFFFFC70 ss:$0x1], $0xffff  }
0x6c: {  	v2 =	vld.idx.msk [tilespmem:v0+s31+$0xFFFFFC50 ss:$0x1], $0xffff;
	_ =	sdelay $0x1  }
0x6d: {  	v3 =	vld.idx.msk [tilespmem:v0+s31+$0xFFFFFC40 ss:$0x1], $0xffff  }
0x6e: {  	v4 =	vld.idx.msk [tilespmem:v0+s31+$0xFFFFFC60 ss:$0x1], $0xffff  }
0x6f: {  	[tilespmem:s30+$0x2070] =	vst.add.f32.msk $0xffff, v1  }
0x70: {  	[tilespmem:s30+$0x850] =	vst.add.f32.msk $0xffff, v2  }
0x71: {  	[tilespmem:s30+$0x2050] =	vst.add.f32.msk $0xffff, v2  }
0x72: {  	s17 =	smul.u32 $0xC000, s29;
	[tilespmem:s30+$0x2040] =	vst.add.f32.msk $0xffff, v3  }
0x73: {  	s18 =	sshll.u32 s28, $0x3;
	[tilespmem:s30+$0x2060] =	vst.add.f32.msk $0xffff, v4  }
0x74: {  	s2 =	sshrl.u32 s17, $0x2;
	s17 =	simm.s32 $0x200;
	s16 =	sand.u32 $0x18, s18;
	[tilespmem:s30+$0x840] =	vst.add.f32.msk $0xffff, v3  }
0x75: {  	s6 =	sshrl.u32 s28, $0x2;
	s2 =	sadd.s32 $0x6000, s2;
	s16 =	sor.u32 s3, s16;
	[tilespmem:s30+$0x860] =	vst.add.f32.msk $0xffff, v4  }
.LBB2_3:
0x76: {  	p0 =	sne.s32 s17, $0xE00;
	[tilespmem:s30+$0x870] =	vst.add.f32.msk $0xffff, v1;
	s18 =	smov.u32 s17;
	s17 =	sadd.s32 $0x200, s17  }
0x77: {  	_ =	sdelay $0x4  }
0x78: {  	v1 =	vld.idx.msk [tilespmem:v0+s31+$0x20 ss:$0x1], $0xffff  }
0x79: {  	v2 =	vld.idx.msk [tilespmem:v0+s31+$0x30 ss:$0x1], $0xffff;
	_ =	sdelay $0x2  }
0x7a: {  	v3 =	vld.idx.msk [tilespmem:v0+s31+$0x10 ss:$0x1], $0xffff  }
0x7b: {  	v4 =	vld.idx.msk [tilespmem:v0+s31+$0x0 ss:$0x1], $0xffff  }
0x7c: {  	[tilespmem:s30+$0xC20] =	vst.add.f32.msk $0xffff, v1  }
0x7d: {  	[tilespmem:s30+$0xC30] =	vst.add.f32.msk $0xffff, v2  }
0x7e: {  	[tilespmem:s30+$0x2420] =	vst.add.f32.msk $0xffff, v1  }
0x7f: {  	[tilespmem:s30+$0x2430] =	vst.add.f32.msk $0xffff, v2  }
0x80: {  	[tilespmem:s30+$0xC10] =	vst.add.f32.msk $0xffff, v3  }
0x81: {  	[tilespmem:s30+$0x2410] =	vst.add.f32.msk $0xffff, v3  }
0x82: {  	[tilespmem:s30+$0xC00] =	vst.add.f32.msk $0xffff, v4  }
0x83: {  	[tilespmem:s30+$0x2400] =	vst.add.f32.msk $0xffff, v4  }
0x84: {  	v1 =	vld.idx.msk [tilespmem:v0+s31+$0x70 ss:$0x1], $0xffff  }
0x85: {  	v2 =	vld.idx.msk [tilespmem:v0+s31+$0x40 ss:$0x1], $0xffff  }
0x86: {  	v3 =	vld.idx.msk [tilespmem:v0+s31+$0x60 ss:$0x1], $0xffff  }
0x87: {  	v4 =	vld.idx.msk [tilespmem:v0+s31+$0x50 ss:$0x1], $0xffff;
	_ =	sdelay $0x2  }
0x88: {  	[tilespmem:s30+$0xC70] =	vst.add.f32.msk $0xffff, v1  }
0x89: {  	[tilespmem:s30+$0xC40] =	vst.add.f32.msk $0xffff, v2  }
0x8a: {  	[tilespmem:s30+$0x2470] =	vst.add.f32.msk $0xffff, v1  }
0x8b: {  	[tilespmem:s30+$0x2460] =	vst.add.f32.msk $0xffff, v3  }
0x8c: {  	[tilespmem:s30+$0x2450] =	vst.add.f32.msk $0xffff, v4  }
0x8d: {  	[tilespmem:s30+$0xC60] =	vst.add.f32.msk $0xffff, v3  }
0x8e: {  	[tilespmem:s30+$0x2440] =	vst.add.f32.msk $0xffff, v2  }
0x8f: {  	[tilespmem:s30+$0xC50] =	vst.add.f32.msk $0xffff, v4  }
0x90: {  	v1 =	vld.idx.msk [tilespmem:v0+s31+$0x400 ss:$0x1], $0xffff  }
0x91: {  	v2 =	vld.idx.msk [tilespmem:v0+s31+$0x410 ss:$0x1], $0xffff  }
0x92: {  	v3 =	vld.idx.msk [tilespmem:v0+s31+$0x420 ss:$0x1], $0xffff  }
0x93: {  	v4 =	vld.idx.msk [tilespmem:v0+s31+$0x430 ss:$0x1], $0xffff;
	_ =	sdelay $0x2  }
0x94: {  	[tilespmem:s30+$0x1000] =	vst.add.f32.msk $0xffff, v1  }
0x95: {  	[tilespmem:s30+$0x2800] =	vst.add.f32.msk $0xffff, v1  }
0x96: {  	[tilespmem:s30+$0x2810] =	vst.add.f32.msk $0xffff, v2  }
0x97: {  	[tilespmem:s30+$0x1020] =	vst.add.f32.msk $0xffff, v3  }
0x98: {  	[tilespmem:s30+$0x1010] =	vst.add.f32.msk $0xffff, v2  }
0x99: {  	[tilespmem:s30+$0x2830] =	vst.add.f32.msk $0xffff, v4  }
0x9a: {  	[tilespmem:s30+$0x2820] =	vst.add.f32.msk $0xffff, v3  }
0x9b: {  	[tilespmem:s30+$0x1030] =	vst.add.f32.msk $0xffff, v4  }
0x9c: {  	v1 =	vld.idx.msk [tilespmem:v0+s31+$0x440 ss:$0x1], $0xffff  }
0x9d: {  	v2 =	vld.idx.msk [tilespmem:v0+s31+$0x450 ss:$0x1], $0xffff  }
0x9e: {  	v3 =	vld.idx.msk [tilespmem:v0+s31+$0x460 ss:$0x1], $0xffff  }
0x9f: {  	v4 =	vld.idx.msk [tilespmem:v0+s31+$0x470 ss:$0x1], $0xffff;
	_ =	sdelay $0x2  }
0xa0: {  	[tilespmem:s30+$0x1040] =	vst.add.f32.msk $0xffff, v1  }
0xa1: {  	[tilespmem:s30+$0x2840] =	vst.add.f32.msk $0xffff, v1  }
0xa2: {  	[tilespmem:s30+$0x1050] =	vst.add.f32.msk $0xffff, v2  }
0xa3: {  	[tilespmem:s30+$0x2850] =	vst.add.f32.msk $0xffff, v2  }
0xa4: {  	[tilespmem:s30+$0x1060] =	vst.add.f32.msk $0xffff, v3  }
0xa5: {  	[tilespmem:s30+$0x2860] =	vst.add.f32.msk $0xffff, v3  }
0xa6: {  	[tilespmem:s30+$0x2870] =	vst.add.f32.msk $0xffff, v4  }
0xa7: {  	[tilespmem:s30+$0x1070] =	vst.add.f32.msk $0xffff, v4  }
0xa8: {  	v1 =	vld.idx.msk [tilespmem:v0+s31+$0x800 ss:$0x1], $0xffff  }
0xa9: {  	v2 =	vld.idx.msk [tilespmem:v0+s31+$0x810 ss:$0x1], $0xffff  }
0xaa: {  	v3 =	vld.idx.msk [tilespmem:v0+s31+$0x820 ss:$0x1], $0xffff  }
0xab: {  	v4 =	vld.idx.msk [tilespmem:v0+s31+$0x830 ss:$0x1], $0xffff;
	_ =	sdelay $0x2  }
0xac: {  	[tilespmem:s30+$0x1400] =	vst.add.f32.msk $0xffff, v1  }
0xad: {  	[tilespmem:s30+$0x2C00] =	vst.add.f32.msk $0xffff, v1  }
0xae: {  	[tilespmem:s30+$0x2C10] =	vst.add.f32.msk $0xffff, v2  }
0xaf: {  	[tilespmem:s30+$0x1410] =	vst.add.f32.msk $0xffff, v2  }
0xb0: {  	[tilespmem:s30+$0x2C20] =	vst.add.f32.msk $0xffff, v3  }
0xb1: {  	[tilespmem:s30+$0x1420] =	vst.add.f32.msk $0xffff, v3  }
0xb2: {  	[tilespmem:s30+$0x1430] =	vst.add.f32.msk $0xffff, v4  }
0xb3: {  	[tilespmem:s30+$0x2C30] =	vst.add.f32.msk $0xffff, v4  }
0xb4: {  	v1 =	vld.idx.msk [tilespmem:v0+s31+$0x840 ss:$0x1], $0xffff  }
0xb5: {  	v2 =	vld.idx.msk [tilespmem:v0+s31+$0x850 ss:$0x1], $0xffff  }
0xb6: {  	v3 =	vld.idx.msk [tilespmem:v0+s31+$0x860 ss:$0x1], $0xffff  }
0xb7: {  	v4 =	vld.idx.msk [tilespmem:v0+s31+$0x870 ss:$0x1], $0xffff;
	_ =	sdelay $0x2  }
0xb8: {  	[tilespmem:s30+$0x1440] =	vst.add.f32.msk $0xffff, v1  }
0xb9: {  	[tilespmem:s30+$0x2C50] =	vst.add.f32.msk $0xffff, v2  }
0xba: {  	[tilespmem:s30+$0x2C60] =	vst.add.f32.msk $0xffff, v3  }
0xbb: {  	[tilespmem:s30+$0x1470] =	vst.add.f32.msk $0xffff, v4  }
0xbc: {  	[tilespmem:s30+$0x1460] =	vst.add.f32.msk $0xffff, v3  }
0xbd: {  	[tilespmem:s30+$0x2C40] =	vst.add.f32.msk $0xffff, v1  }
0xbe: {  	[tilespmem:s30+$0x1450] =	vst.add.f32.msk $0xffff, v2  }
0xbf: {  	s31 =	sshra.s32 s18, $0x2;
	[tilespmem:s30+$0x2C70] =	vst.add.f32.msk $0xffff, v4  }
0xc0: {  	v1 =	vld.idx.msk [tilespmem:v0+s31+$0xFFFFF430 ss:$0x1], $0xffff  }
0xc1: {  	v2 =	vld.idx.msk [tilespmem:v0+s31+$0xFFFFF400 ss:$0x1], $0xffff  }
0xc2: {  	v3 =	vld.idx.msk [tilespmem:v0+s31+$0xFFFFF420 ss:$0x1], $0xffff;
	_ =	sdelay $0x2  }
0xc3: {  	s30 =	sadd.s32 s31, s0;
	v4 =	vld.idx.msk [tilespmem:v0+s31+$0xFFFFF410 ss:$0x1], $0xffff  }
0xc4: {  	[tilespmem:s30+$0x1830] =	vst.add.f32.msk $0xffff, v1  }
0xc5: {  	[tilespmem:s30+$0x30] =	vst.add.f32.msk $0xffff, v1  }
0xc6: {  	[tilespmem:s30+$0x0] =	vst.add.f32.msk $0xffff, v2  }
0xc7: {  	[tilespmem:s30+$0x1800] =	vst.add.f32.msk $0xffff, v2  }
0xc8: {  	[tilespmem:s30+$0x1820] =	vst.add.f32.msk $0xffff, v3  }
0xc9: {  	[tilespmem:s30+$0x20] =	vst.add.f32.msk $0xffff, v3  }
0xca: {  	[tilespmem:s30+$0x10] =	vst.add.f32.msk $0xffff, v4  }
0xcb: {  	[tilespmem:s30+$0x1810] =	vst.add.f32.msk $0xffff, v4  }
0xcc: {  	v1 =	vld.idx.msk [tilespmem:v0+s31+$0xFFFFF440 ss:$0x1], $0xffff  }
0xcd: {  	v2 =	vld.idx.msk [tilespmem:v0+s31+$0xFFFFF450 ss:$0x1], $0xffff  }
0xce: {  	v3 =	vld.idx.msk [tilespmem:v0+s31+$0xFFFFF460 ss:$0x1], $0xffff  }
0xcf: {  	v4 =	vld.idx.msk [tilespmem:v0+s31+$0xFFFFF470 ss:$0x1], $0xffff;
	_ =	sdelay $0x2  }
0xd0: {  	[tilespmem:s30+$0x40] =	vst.add.f32.msk $0xffff, v1  }
0xd1: {  	[tilespmem:s30+$0x1840] =	vst.add.f32.msk $0xffff, v1  }
0xd2: {  	[tilespmem:s30+$0x50] =	vst.add.f32.msk $0xffff, v2  }
0xd3: {  	[tilespmem:s30+$0x1850] =	vst.add.f32.msk $0xffff, v2  }
0xd4: {  	[tilespmem:s30+$0x60] =	vst.add.f32.msk $0xffff, v3  }
0xd5: {  	[tilespmem:s30+$0x1860] =	vst.add.f32.msk $0xffff, v3  }
0xd6: {  	[tilespmem:s30+$0x70] =	vst.add.f32.msk $0xffff, v4  }
0xd7: {  	[tilespmem:s30+$0x1870] =	vst.add.f32.msk $0xffff, v4  }
0xd8: {  	v1 =	vld.idx.msk [tilespmem:v0+s31+$0xFFFFF800 ss:$0x1], $0xffff  }
0xd9: {  	v2 =	vld.idx.msk [tilespmem:v0+s31+$0xFFFFF810 ss:$0x1], $0xffff  }
0xda: {  	v3 =	vld.idx.msk [tilespmem:v0+s31+$0xFFFFF820 ss:$0x1], $0xffff  }
0xdb: {  	v4 =	vld.idx.msk [tilespmem:v0+s31+$0xFFFFF830 ss:$0x1], $0xffff;
	_ =	sdelay $0x2  }
0xdc: {  	[tilespmem:s30+$0x400] =	vst.add.f32.msk $0xffff, v1  }
0xdd: {  	[tilespmem:s30+$0x1C00] =	vst.add.f32.msk $0xffff, v1  }
0xde: {  	[tilespmem:s30+$0x410] =	vst.add.f32.msk $0xffff, v2  }
0xdf: {  	[tilespmem:s30+$0x1C10] =	vst.add.f32.msk $0xffff, v2  }
0xe0: {  	[tilespmem:s30+$0x420] =	vst.add.f32.msk $0xffff, v3  }
0xe1: {  	[tilespmem:s30+$0x1C30] =	vst.add.f32.msk $0xffff, v4  }
0xe2: {  	[tilespmem:s30+$0x1C20] =	vst.add.f32.msk $0xffff, v3  }
0xe3: {  	[tilespmem:s30+$0x430] =	vst.add.f32.msk $0xffff, v4  }
0xe4: {  	v1 =	vld.idx.msk [tilespmem:v0+s31+$0xFFFFF840 ss:$0x1], $0xffff  }
0xe5: {  	v2 =	vld.idx.msk [tilespmem:v0+s31+$0xFFFFF850 ss:$0x1], $0xffff  }
0xe6: {  	v3 =	vld.idx.msk [tilespmem:v0+s31+$0xFFFFF860 ss:$0x1], $0xffff  }
0xe7: {  	v4 =	vld.idx.msk [tilespmem:v0+s31+$0xFFFFF870 ss:$0x1], $0xffff;
	_ =	sdelay $0x2  }
0xe8: {  	[tilespmem:s30+$0x440] =	vst.add.f32.msk $0xffff, v1  }
0xe9: {  	[tilespmem:s30+$0x1C40] =	vst.add.f32.msk $0xffff, v1  }
0xea: {  	[tilespmem:s30+$0x450] =	vst.add.f32.msk $0xffff, v2  }
0xeb: {  	[tilespmem:s30+$0x460] =	vst.add.f32.msk $0xffff, v3  }
0xec: {  	[tilespmem:s30+$0x1C50] =	vst.add.f32.msk $0xffff, v2  }
0xed: {  	[tilespmem:s30+$0x1C60] =	vst.add.f32.msk $0xffff, v3  }
0xee: {  	[tilespmem:s30+$0x1C70] =	vst.add.f32.msk $0xffff, v4  }
0xef: {  	[tilespmem:s30+$0x470] =	vst.add.f32.msk $0xffff, v4  }
0xf0: {  	v1 =	vld.idx.msk [tilespmem:v0+s31+$0xFFFFFC00 ss:$0x1], $0xffff  }
0xf1: {  	v2 =	vld.idx.msk [tilespmem:v0+s31+$0xFFFFFC10 ss:$0x1], $0xffff  }
0xf2: {  	v3 =	vld.idx.msk [tilespmem:v0+s31+$0xFFFFFC20 ss:$0x1], $0xffff  }
0xf3: {  	v4 =	vld.idx.msk [tilespmem:v0+s31+$0xFFFFFC30 ss:$0x1], $0xffff;
	_ =	sdelay $0x2  }
0xf4: {  	[tilespmem:s30+$0x800] =	vst.add.f32.msk $0xffff, v1  }
0xf5: {  	[tilespmem:s30+$0x2000] =	vst.add.f32.msk $0xffff, v1  }
0xf6: {  	[tilespmem:s30+$0x810] =	vst.add.f32.msk $0xffff, v2  }
0xf7: {  	[tilespmem:s30+$0x2010] =	vst.add.f32.msk $0xffff, v2  }
0xf8: {  	[tilespmem:s30+$0x820] =	vst.add.f32.msk $0xffff, v3  }
0xf9: {  	[tilespmem:s30+$0x2020] =	vst.add.f32.msk $0xffff, v3  }
0xfa: {  	[tilespmem:s30+$0x830] =	vst.add.f32.msk $0xffff, v4  }
0xfb: {  	[tilespmem:s30+$0x2030] =	vst.add.f32.msk $0xffff, v4  }
0xfc: {  	v1 =	vld.idx.msk [tilespmem:v0+s31+$0xFFFFFC70 ss:$0x1], $0xffff  }
0xfd: {  	v2 =	vld.idx.msk [tilespmem:v0+s31+$0xFFFFFC50 ss:$0x1], $0xffff  }
0xfe: {  	v3 =	vld.idx.msk [tilespmem:v0+s31+$0xFFFFFC40 ss:$0x1], $0xffff  }
0xff: {  	v4 =	vld.idx.msk [tilespmem:v0+s31+$0xFFFFFC60 ss:$0x1], $0xffff;
	_ =	sdelay $0x2  }
0x100: {  	[tilespmem:s30+$0x2070] =	vst.add.f32.msk $0xffff, v1  }
0x101: {  	[tilespmem:s30+$0x850] =	vst.add.f32.msk $0xffff, v2  }
.Ltmp0:
0x102: {  	[tilespmem:s30+$0x2050] =	vst.add.f32.msk $0xffff, v2;
	(pc) =	sbr.rel @p0 .LBB2_3-.Ltmp0, $4  }
0x103: {  	[tilespmem:s30+$0x2040] =	vst.add.f32.msk $0xffff, v3  }
0x104: {  	[tilespmem:s30+$0x2060] =	vst.add.f32.msk $0xffff, v4  }
0x105: {  	[tilespmem:s30+$0x840] =	vst.add.f32.msk $0xffff, v3  }
0x106: {  	[tilespmem:s30+$0x860] =	vst.add.f32.msk $0xffff, v4  }
0x107: {  	_ =	sdelay $0x2  }
0x108: {  	[tilespmem:s30+$0x870] =	vst.add.f32.msk $0xffff, v1  }
0x109: {  	v1 =	vld.idx.msk [tilespmem:v0+s31+$0x20 ss:$0x1], $0xffff  }
0x10a: {  	v2 =	vld.idx.msk [tilespmem:v0+s31+$0x30 ss:$0x1], $0xffff;
	_ =	sdelay $0x1  }
0x10b: {  	v3 =	vld.idx.msk [tilespmem:v0+s31+$0x10 ss:$0x1], $0xffff  }
0x10c: {  	v4 =	vld.idx.msk [tilespmem:v0+s31+$0x0 ss:$0x1], $0xffff  }
0x10d: {  	[tilespmem:s30+$0xC20] =	vst.add.f32.msk $0xffff, v1  }
0x10e: {  	[tilespmem:s30+$0xC30] =	vst.add.f32.msk $0xffff, v2  }
0x10f: {  	[tilespmem:s30+$0x2420] =	vst.add.f32.msk $0xffff, v1  }
0x110: {  	[tilespmem:s30+$0x2430] =	vst.add.f32.msk $0xffff, v2  }
0x111: {  	[tilespmem:s30+$0xC10] =	vst.add.f32.msk $0xffff, v3  }
0x112: {  	[tilespmem:s30+$0x2410] =	vst.add.f32.msk $0xffff, v3  }
0x113: {  	[tilespmem:s30+$0xC00] =	vst.add.f32.msk $0xffff, v4  }
0x114: {  	[tilespmem:s30+$0x2400] =	vst.add.f32.msk $0xffff, v4  }
0x115: {  	v1 =	vld.idx.msk [tilespmem:v0+s31+$0x70 ss:$0x1], $0xffff  }
0x116: {  	v2 =	vld.idx.msk [tilespmem:v0+s31+$0x40 ss:$0x1], $0xffff;
	_ =	sdelay $0x1  }
0x117: {  	v3 =	vld.idx.msk [tilespmem:v0+s31+$0x60 ss:$0x1], $0xffff  }
0x118: {  	v4 =	vld.idx.msk [tilespmem:v0+s31+$0x50 ss:$0x1], $0xffff  }
0x119: {  	[tilespmem:s30+$0xC70] =	vst.add.f32.msk $0xffff, v1  }
0x11a: {  	[tilespmem:s30+$0xC40] =	vst.add.f32.msk $0xffff, v2  }
0x11b: {  	[tilespmem:s30+$0x2470] =	vst.add.f32.msk $0xffff, v1  }
0x11c: {  	[tilespmem:s30+$0x2460] =	vst.add.f32.msk $0xffff, v3  }
0x11d: {  	[tilespmem:s30+$0x2450] =	vst.add.f32.msk $0xffff, v4  }
0x11e: {  	[tilespmem:s30+$0xC60] =	vst.add.f32.msk $0xffff, v3  }
0x11f: {  	[tilespmem:s30+$0x2440] =	vst.add.f32.msk $0xffff, v2  }
0x120: {  	[tilespmem:s30+$0xC50] =	vst.add.f32.msk $0xffff, v4  }
0x121: {  	v1 =	vld.idx.msk [tilespmem:v0+s31+$0x400 ss:$0x1], $0xffff;
	_ =	sdelay $0x1  }
0x122: {  	v2 =	vld.idx.msk [tilespmem:v0+s31+$0x410 ss:$0x1], $0xffff  }
0x123: {  	v3 =	vld.idx.msk [tilespmem:v0+s31+$0x420 ss:$0x1], $0xffff  }
0x124: {  	v4 =	vld.idx.msk [tilespmem:v0+s31+$0x430 ss:$0x1], $0xffff  }
0x125: {  	[tilespmem:s30+$0x1000] =	vst.add.f32.msk $0xffff, v1  }
0x126: {  	[tilespmem:s30+$0x2800] =	vst.add.f32.msk $0xffff, v1  }
0x127: {  	[tilespmem:s30+$0x2810] =	vst.add.f32.msk $0xffff, v2  }
0x128: {  	[tilespmem:s30+$0x1020] =	vst.add.f32.msk $0xffff, v3  }
0x129: {  	[tilespmem:s30+$0x1010] =	vst.add.f32.msk $0xffff, v2  }
0x12a: {  	[tilespmem:s30+$0x2830] =	vst.add.f32.msk $0xffff, v4  }
0x12b: {  	[tilespmem:s30+$0x2820] =	vst.add.f32.msk $0xffff, v3  }
0x12c: {  	[tilespmem:s30+$0x1030] =	vst.add.f32.msk $0xffff, v4  }
0x12d: {  	v1 =	vld.idx.msk [tilespmem:v0+s31+$0x440 ss:$0x1], $0xffff;
	_ =	sdelay $0x1  }
0x12e: {  	v2 =	vld.idx.msk [tilespmem:v0+s31+$0x450 ss:$0x1], $0xffff  }
0x12f: {  	v3 =	vld.idx.msk [tilespmem:v0+s31+$0x460 ss:$0x1], $0xffff  }
0x130: {  	v4 =	vld.idx.msk [tilespmem:v0+s31+$0x470 ss:$0x1], $0xffff  }
0x131: {  	[tilespmem:s30+$0x1040] =	vst.add.f32.msk $0xffff, v1  }
0x132: {  	[tilespmem:s30+$0x2840] =	vst.add.f32.msk $0xffff, v1  }
0x133: {  	[tilespmem:s30+$0x1050] =	vst.add.f32.msk $0xffff, v2  }
0x134: {  	[tilespmem:s30+$0x2850] =	vst.add.f32.msk $0xffff, v2  }
0x135: {  	[tilespmem:s30+$0x1060] =	vst.add.f32.msk $0xffff, v3  }
0x136: {  	[tilespmem:s30+$0x2860] =	vst.add.f32.msk $0xffff, v3  }
0x137: {  	[tilespmem:s30+$0x2870] =	vst.add.f32.msk $0xffff, v4  }
0x138: {  	[tilespmem:s30+$0x1070] =	vst.add.f32.msk $0xffff, v4  }
0x139: {  	v1 =	vld.idx.msk [tilespmem:v0+s31+$0x800 ss:$0x1], $0xffff;
	_ =	sdelay $0x1  }
0x13a: {  	v2 =	vld.idx.msk [tilespmem:v0+s31+$0x810 ss:$0x1], $0xffff  }
0x13b: {  	v3 =	vld.idx.msk [tilespmem:v0+s31+$0x820 ss:$0x1], $0xffff  }
0x13c: {  	v4 =	vld.idx.msk [tilespmem:v0+s31+$0x830 ss:$0x1], $0xffff  }
0x13d: {  	[tilespmem:s30+$0x1400] =	vst.add.f32.msk $0xffff, v1  }
0x13e: {  	[tilespmem:s30+$0x2C00] =	vst.add.f32.msk $0xffff, v1  }
0x13f: {  	[tilespmem:s30+$0x2C10] =	vst.add.f32.msk $0xffff, v2  }
0x140: {  	[tilespmem:s30+$0x1410] =	vst.add.f32.msk $0xffff, v2  }
0x141: {  	[tilespmem:s30+$0x2C20] =	vst.add.f32.msk $0xffff, v3  }
0x142: {  	[tilespmem:s30+$0x1420] =	vst.add.f32.msk $0xffff, v3  }
0x143: {  	[tilespmem:s30+$0x1430] =	vst.add.f32.msk $0xffff, v4  }
0x144: {  	[tilespmem:s30+$0x2C30] =	vst.add.f32.msk $0xffff, v4  }
0x145: {  	v1 =	vld.idx.msk [tilespmem:v0+s31+$0x840 ss:$0x1], $0xffff  }
0x146: {  	v2 =	vld.idx.msk [tilespmem:v0+s31+$0x850 ss:$0x1], $0xffff  }
0x147: {  	v3 =	vld.idx.msk [tilespmem:v0+s31+$0x860 ss:$0x1], $0xffff  }
0x148: {  	v63 =	vld.idx.msk [tilespmem:v0+s31+$0x870 ss:$0x1], $0xffff;
	_ =	sdelay $0x1  }
0x149: {  	[tilespmem:s30+$0x1440] =	vst.add.f32.msk $0xffff, v1  }
0x14a: {  	[tilespmem:s30+$0x2C50] =	vst.add.f32.msk $0xffff, v2  }
0x14b: {  	s0 =	smul.u32 $0x180000, s6;
	s18 =	sshrl.u32 s16, $0x3;
	s28 =	sadd.s32 $0x1, s28;
	[tilespmem:s30+$0x2C60] =	vst.add.f32.msk $0xffff, v3  }
0x14c: {  	s6 =	smul.u32 $0x1800, s18;
	p0 =	sne.s32 s28, $0x80;
	[tilespmem:s30+$0x1470] =	vst.add.f32.msk $0xffff, v63  }
.Ltmp1:
0x14d: {  	[tilespmem:s30+$0x1460] =	vst.add.f32.msk $0xffff, v3;
	(pc) =	sbr.rel @p0 .LBB2_2-.Ltmp1, $4  }
0x14e: {  	s0 =	sadd.s32 s0, s6;
	[tilespmem:s30+$0x2C40] =	vst.add.f32.msk $0xffff, v1  }
0x14f: {  	s26 =	sadd.s32 $0x1, s26;
	s0 =	sshrl.u32 s0, $0x3;
	[tilespmem:s30+$0x1450] =	vst.add.f32.msk $0xffff, v2  }
0x150: {  	s25 =	sadd.s32 $0x1, s25;
	s0 =	sadd.s32 s4, s0;
	s31 =	sadd.s32 $0x9, s29;
	[tilespmem:s30+$0x2C70] =	vst.add.f32.msk $0xffff, v63  }
0x151: {  	[hbm4b:s0+s14] =	stream.strided.scatter [tilespmem:s2], [sflag:s31], $0x3000, s15, s14, $0x38;
	[tilespmem:$0x1E000] =	vst v63  }
0x152: {  	_ =	swait.ge [sflag:s20], $0x3000  }
0x153: {  	[sflag:s20] =	ssyncset.done $0x0  }
0x154: {  	[sflag:s20] =	ssyncadd.s32 $0xFFFFD000  }
0x155: {  	_ =	swait.ge [sflag:s21], $0x3000  }
0x156: {  	[sflag:s21] =	ssyncset.done $0x0  }
0x157: {  	s24 =	sadd.s32 $0x1, s24;
	[sflag:s21] =	ssyncadd.s32 $0xFFFFD000  }
0x158: {  	p0 =	sne.s32 s24, s12;
	_ =	swait.ge [sflag:s22], $0x3000  }
.Ltmp2:
0x159: {  	[sflag:s22] =	ssyncset.done $0x0;
	(pc) =	sbr.rel @p0 .LBB2_1-.Ltmp2, $4  }
0x15a: {  	[sflag:s22] =	ssyncadd.s32 $0xFFFFD000  }
0x15b: {  	_ =	swait.ge [sflag:s23], $0x3000  }
0x15c: {  	[sflag:s23] =	ssyncset.done $0x0  }
0x15d: {  	[sflag:s23] =	ssyncadd.s32 $0xFFFFD000  }
0x15e: {  	_ =	sfence.sel $0x180000  }
0x15f: {  	[bflag:$0x0] =	sbarrier.arrive $0xFFFF  }
0x160: {  	_ =	strace $0x90000047  }
0x161: {  	s0 =	stileid.u32;
	[bflag:$0x2] =	sbarrier.arrive $0xFFFF  }
0x162: {  	p0 =	sne.s32 s0, $0x0;
	s0 =	rddreg [dreg:$0x3]  }
0x163: {  	s0 =	sadd.s32 @!p0 $0x100000, s0  }
0x164: {  	[sflag:s0] =	ssyncadd.tile.s32 @!p0 $0x1;
	_ =	shalt  }
.Lfunc_end2:
_tile_overlayer_lowered:
.L_overlay_start_2:
0x165: {  	(tag) =	ssettag $0x2  }
0x166: {  	s0 =	rddreg [dreg:$0x0];
	s2 =	stileid.u32  }
0x167: {  	s1 =	rddreg [dreg:$0x1];
	p0 =	sne.s32 s2, $0x0  }
0x168: {  	s3 =	rddreg [dreg:$0x2];
	[bflag:$0x3] =	sbarrier.arrive $0xFFFF;
	s2 =	simm.s32 @!p0 $0x1C11  }
0x169: {  	[timem:s3], [sflag:s2] =	dma.local @!p0 [hbm:s0], s1  }
0x16a: {  	s0 =	simm.s32 @!p0 $0x11  }
0x16b: {  	_ =	swait.ge @!p0 [sflag:s0], s1  }
0x16c: {  	s1 =	ssub.s32 @!p0 $0x0, s1;
	[sflag:s0] =	ssyncset.done @!p0 $0x0  }
0x16d: {  	[sflag:s0] =	ssyncadd.s32 @!p0 s1  }
0x16e: {  	[bflag:$0x3] =	sbarrier.arrive $0xFFFF  }
0x16f: {  	_ =	shalt  }

</sc_bundles>
